<compile_context>
chip_gen: v7x
topology: tpu7x:2x2x1
jax: 0.10.2.dev20260603
libtpu: 0.0.44.dev20260713+nightly
codegen_flags: <defaults>
</compile_context>

<pallas_src>
import functools

import jax
import jax.numpy as jnp
from jax import lax
from jax.experimental import pallas as pl
from jax.experimental.pallas import tpu as pltpu
from jax.experimental.pallas import tpu_sc as plsc

_N = 10000
_D = 128
_NC = 2
_NS = 16
_NW = _NC * _NS
_E_TOT = 320000
_CHUNK = 128
_NCHUNK = 80
_EPW = _NCHUNK * _CHUNK
_E_PAD = _EPW * _NW
_N_PAD = 10240
_RPS = _N_PAD // _NS
_N_PAD_DEG = 10240
_RPS_DEG = _N_PAD_DEG // _NS

_BLK = 1000
_GRID = _N // _BLK

_mesh = plsc.VectorSubcoreMesh(
    core_axis_name="c", subcore_axis_name="s", num_cores=_NC, num_subcores=_NS)



@functools.partial(
    pl.kernel,
    out_type=jax.ShapeDtypeStruct((_NC, _N_PAD_DEG), jnp.float32),
    mesh=_mesh,
    scratch_types=[
        pltpu.VMEM((_NCHUNK, _CHUNK), jnp.int32),
        pltpu.VMEM((_CHUNK,), jnp.float32),
        pltpu.VMEM_SHARED((_N_PAD_DEG,), jnp.float32),
    ],
)
def _sc_degree(dst_hbm, zeros1_hbm, out_hbm, didx, ones, dacc):
    c = lax.axis_index("c")
    s = lax.axis_index("s")
    wid = s * _NC + c
    pltpu.sync_copy(dst_hbm.at[wid], didx)
    for i in range(_CHUNK // 16):
        ones[pl.ds(i * 16, 16)] = jnp.ones((16,), jnp.float32)
    pltpu.sync_copy(zeros1_hbm.at[pl.ds(s * _RPS_DEG, _RPS_DEG)],
                    dacc.at[pl.ds(s * _RPS_DEG, _RPS_DEG)])
    plsc.subcore_barrier()

    def body(j, carry):
        pltpu.sync_copy(ones, dacc.at[didx.at[j]], add=True)
        return carry

    lax.fori_loop(0, _NCHUNK, body, 0)
    plsc.subcore_barrier()
    pltpu.sync_copy(dacc.at[pl.ds(s * _RPS_DEG, _RPS_DEG)],
                    out_hbm.at[c, pl.ds(s * _RPS_DEG, _RPS_DEG)])


@functools.partial(
    pl.kernel,
    out_type=jax.ShapeDtypeStruct((_NC, _N_PAD, _D), jnp.float32),
    mesh=_mesh,
    scratch_types=[
        pltpu.VMEM((_NCHUNK, _CHUNK), jnp.int32),
        pltpu.VMEM((_NCHUNK, _CHUNK), jnp.int32),
        pltpu.VMEM((_CHUNK, _D), jnp.float32),
        pltpu.SemaphoreType.DMA,
        pltpu.VMEM_SHARED((_N_PAD, _D), jnp.float32),
    ],
)
def _sc_message(src_hbm, dst_hbm, xs_hbm, zeros_hbm, out_hbm,
                sidx, didx, gbuf, sem, acc):
    c = lax.axis_index("c")
    s = lax.axis_index("s")
    wid = s * _NC + c
    pltpu.sync_copy(src_hbm.at[wid], sidx)
    pltpu.sync_copy(dst_hbm.at[wid], didx)
    pltpu.sync_copy(zeros_hbm.at[pl.ds(s * _RPS, _RPS)],
                    acc.at[pl.ds(s * _RPS, _RPS)])
    plsc.subcore_barrier()

    def body(j, carry):
        pltpu.async_copy(xs_hbm.at[sidx.at[j]], gbuf, sem).wait()
        pltpu.sync_copy(gbuf, acc.at[didx.at[j]], add=True)
        return carry

    lax.fori_loop(0, _NCHUNK, body, 0)
    plsc.subcore_barrier()
    pltpu.sync_copy(acc.at[pl.ds(s * _RPS, _RPS)],
                    out_hbm.at[c, pl.ds(s * _RPS, _RPS)])



def _type_of(i):
    return jnp.where(i < 4, 0, jnp.where(i < 7, 1, 2))


def _tc1_body(x_ref, w_ref, b_ref, d0_ref, d1_ref, x1_ref, xs_ref, rdeg_ref):
    deg = d0_ref[0, 0] + d1_ref[0, 0] + 1.0
    rdeg = lax.rsqrt(deg)
    rdeg_ref[0, 0] = rdeg
    x1 = jnp.dot(x_ref[...], w_ref[0], preferred_element_type=jnp.float32)
    x1 = x1 + b_ref[0]
    x1_ref[...] = x1
    xs_ref[...] = x1 * rdeg[:, None]


def _tc2_body(x1_ref, p0_ref, p1_ref, rdeg_ref, w_ref, b_ref, x2_ref, xs_ref):
    rdeg = rdeg_ref[0, 0][:, None]
    agg = p0_ref[...] + p1_ref[...]
    h = jnp.maximum(x1_ref[...] + rdeg * agg, 0.0)
    x2 = jnp.dot(h, w_ref[0], preferred_element_type=jnp.float32) + b_ref[0]
    x2_ref[...] = x2
    xs_ref[...] = x2 * rdeg


def _tc3_body(x2_ref, p0_ref, p1_ref, rdeg_ref, out_ref):
    rdeg = rdeg_ref[0, 0][:, None]
    agg = p0_ref[...] + p1_ref[...]
    out_ref[...] = x2_ref[...] + rdeg * agg


_row_spec = pl.BlockSpec((_BLK, _D), lambda i: (i, 0))
_w_spec = pl.BlockSpec((1, _D, _D), lambda i: (_type_of(i), 0, 0))
_b_spec = pl.BlockSpec((1, 1, _D), lambda i: (_type_of(i), 0, 0))
_vec_spec = pl.BlockSpec((1, 1, _BLK), lambda i: (i, 0, 0))

_tc1 = pl.pallas_call(
    _tc1_body,
    grid=(_GRID,),
    in_specs=[_row_spec, _w_spec, _b_spec, _vec_spec, _vec_spec],
    out_specs=[_row_spec, _row_spec, _vec_spec],
    out_shape=[
        jax.ShapeDtypeStruct((_N, _D), jnp.float32),
        jax.ShapeDtypeStruct((_N, _D), jnp.float32),
        jax.ShapeDtypeStruct((_GRID, 1, _BLK), jnp.float32),
    ],
)

_tc2 = pl.pallas_call(
    _tc2_body,
    grid=(_GRID,),
    in_specs=[_row_spec, _row_spec, _row_spec, _vec_spec, _w_spec, _b_spec],
    out_specs=[_row_spec, _row_spec],
    out_shape=[
        jax.ShapeDtypeStruct((_N, _D), jnp.float32),
        jax.ShapeDtypeStruct((_N, _D), jnp.float32),
    ],
)

_tc3 = pl.pallas_call(
    _tc3_body,
    grid=(_GRID,),
    in_specs=[_row_spec, _row_spec, _row_spec, _vec_spec],
    out_specs=_row_spec,
    out_shape=jax.ShapeDtypeStruct((_N, _D), jnp.float32),
)



def kernel(x0, x1, x2, edge_index0, edge_index1, edge_index2,
           W0_0, b0_0, W0_1, b0_1, W0_2, b0_2,
           W1_0, b1_0, W1_1, b1_1, W1_2, b1_2):
    x_cat = jnp.concatenate([x0, x1, x2], axis=0)
    W0 = jnp.stack([W0_0, W0_1, W0_2])
    b0 = jnp.stack([b0_0, b0_1, b0_2])[:, None, :]
    W1 = jnp.stack([W1_0, W1_1, W1_2])
    b1 = jnp.stack([b1_0, b1_1, b1_2])[:, None, :]

    src = jnp.concatenate([edge_index0[0], edge_index1[0], edge_index2[0]])
    dst = jnp.concatenate([edge_index0[1], edge_index1[1], edge_index2[1]])
    npad = _E_PAD - _E_TOT
    pad_src = (jnp.arange(npad, dtype=jnp.int32) * 131) % _N
    pad_dst = _N + (jnp.arange(npad, dtype=jnp.int32) % (_N_PAD - _N))
    src_p = jnp.concatenate([src, pad_src])
    dst_p = jnp.concatenate([dst, pad_dst])
    src_w = src_p.reshape(_NW, _NCHUNK, _CHUNK)
    dst_w = dst_p.reshape(_NW, _NCHUNK, _CHUNK)

    zeros1 = jnp.zeros((_N_PAD_DEG,), jnp.float32)
    zeros2 = jnp.zeros((_N_PAD, _D), jnp.float32)

    degp = _sc_degree(dst_w, zeros1)
    d0 = degp[0, :_N].reshape(_GRID, 1, _BLK)
    d1 = degp[1, :_N].reshape(_GRID, 1, _BLK)

    x1_full, xs1, rdeg_r = _tc1(x_cat, W0, b0, d0, d1)

    p = _sc_message(src_w, dst_w, xs1, zeros2)
    x2_full, xs2 = _tc2(x1_full, p[0, :_N], p[1, :_N], rdeg_r, W1, b1)

    q = _sc_message(src_w, dst_w, xs2, zeros2)
    return _tc3(x2_full, q[0, :_N], q[1, :_N], rdeg_r)

# --- scband reference (transcript-rebuilt; emitter-appended) ---
"""Pipeline reference for scband-gcnencoder-72499047956500 (READ-ONLY COPY).

The authoritative reference and input builder live on the scoring server;
editing this copy changes nothing except your own understanding.
"""

import jax, jax.numpy as jnp
import numpy as np

N_NODES = 10000
SPLITS = [4000, 3000, 3000]
N_EDGES = [128000, 96000, 96000]
D_IN = 128
D_HID = 128
D_OUT = 128
NUM_TYPES = 3


def setup_inputs(seed: int = 0) -> dict:
    key = jax.random.key(seed)
    inp = {}
    k = key
    for t in range(NUM_TYPES):
        k, s = jax.random.split(k)
        inp[f"x{t}"] = jax.random.normal(s, (SPLITS[t], D_IN), dtype=jnp.float32)
    for t in range(NUM_TYPES):
        k, s = jax.random.split(k)
        inp[f"edge_index{t}"] = jax.random.randint(s, (2, N_EDGES[t]), 0, N_NODES, dtype=jnp.int32)
    dims = [(D_IN, D_HID), (D_HID, D_OUT)]
    for l, (di, do) in enumerate(dims):
        for t in range(NUM_TYPES):
            k, s = jax.random.split(k)
            inp[f"W{l}_{t}"] = jax.random.normal(s, (di, do), dtype=jnp.float32) / np.sqrt(di)
            inp[f"b{l}_{t}"] = jnp.zeros((do,), dtype=jnp.float32)
    return inp


def _gcn_layer(xs, edge_indices, Ws, bs, apply_relu):
    # Per-type linear projection, then concat into one global node tensor.
    X = jnp.concatenate([x @ W + b for x, W, b in zip(xs, Ws, bs)], axis=0)
    src = jnp.concatenate([e[0] for e in edge_indices])
    dst = jnp.concatenate([e[1] for e in edge_indices])
    deg = jnp.zeros((X.shape[0],), dtype=X.dtype).at[dst].add(1.0) + 1.0
    norm = jax.lax.rsqrt(deg[src] * deg[dst])
    agg = jnp.zeros_like(X).at[dst].add(X[src] * norm[:, None])
    out = agg + X  # self-loop
    if apply_relu:
        out = jnp.maximum(out, 0.0)
    return out


def reference(x0, x1, x2,
              edge_index0, edge_index1, edge_index2,
              W0_0, b0_0, W0_1, b0_1, W0_2, b0_2,
              W1_0, b1_0, W1_1, b1_1, W1_2, b1_2):
    xs = [x0, x1, x2]
    edges = [edge_index0, edge_index1, edge_index2]
    h = _gcn_layer(xs, edges,
                   [W0_0, W0_1, W0_2],
                   [b0_0, b0_1, b0_2], True)
    offs = np.cumsum([0] + SPLITS)
    hs = [h[offs[t]:offs[t + 1]] for t in range(NUM_TYPES)]
    h_out = _gcn_layer(hs, edges,
                       [W1_0, W1_1, W1_2],
                       [b1_0, b1_1, b1_2], False)
    return h_out

if __name__ == "__main__":
    import jax
    _d = setup_inputs()
    print(jax.jit(kernel)(*tuple(_d.values())))

</pallas_src>

<mosaic_0001>
#map = affine_map<(d0, d1) -> (0, 0, 0)>
#map1 = affine_map<(d0, d1) -> (0)>
#map2 = affine_map<(d0, d1) -> (0, 0)>
module attributes {stable_mosaic.version = 14 : i64} {
  func.func @_sc_degree(%arg0: i32, %arg1: i32, %arg2: memref<32x80x128xi32, #tpu.memory_space<hbm>>, %arg3: memref<10240xf32, #tpu.memory_space<hbm>>, %arg4: memref<2x10240xf32, #tpu.memory_space<hbm>>, %arg5: memref<80x128xi32, #tpu.memory_space<vmem>>, %arg6: memref<128xf32, #tpu.memory_space<vmem>>, %arg7: memref<10240xf32, #tpu.memory_space<vmem_shared>>) attributes {dimension_semantics = [#tpu.dimension_semantics<core_parallel>, #tpu.dimension_semantics<subcore_parallel>], iteration_bounds = array<i64: 2, 16>, scalar_prefetch = 0 : i64, scratch_operands = 3 : i64, tpu.core_type = #tpu.core_type<sc_vector_subcore>, window_params = [{transform_indices = #map}, {transform_indices = #map1}, {transform_indices = #map2}]} {
    %mul3A = arith.constant 2 : i32
    %mul3A_0 = arith.muli %arg1, %mul3A : i32
    %add3A = arith.addi %mul3A_0, %arg0 : i32
    "tpu.region"() ({
      %run_scoped3A = tpu.sem_alloc : memref<!tpu.dma_semaphore, #tpu.memory_space<semaphore_mem>>
      %dma_start3A = arith.constant 0 : i32
      %dma_start3A_61 = arith.constant 0 : i32
      %dma_start3A_62 = tpu.memref_slice %arg2[%add3A, %dma_start3A, %dma_start3A_61] : memref<32x80x128xi32, #tpu.memory_space<hbm>> -> memref<1x80x128xi32, #tpu.memory_space<hbm>>
      %dma_start3A_63 = tpu.memref_squeeze %dma_start3A_62 : memref<1x80x128xi32, #tpu.memory_space<hbm>> -> memref<80x128xi32, #tpu.memory_space<hbm>>
      %dma_start3A_64 = arith.constant 0 : i32
      %dma_start3A_65 = arith.constant 0 : i32
      %dma_start3A_66 = tpu.memref_slice %arg2[%add3A, %dma_start3A_64, %dma_start3A_65] : memref<32x80x128xi32, #tpu.memory_space<hbm>> -> memref<1x80x128xi32, #tpu.memory_space<hbm>>
      %dma_start3A_67 = tpu.memref_squeeze %dma_start3A_66 : memref<1x80x128xi32, #tpu.memory_space<hbm>> -> memref<80x128xi32, #tpu.memory_space<hbm>>
      tpu.enqueue_dma source(%dma_start3A_67 : memref<80x128xi32, #tpu.memory_space<hbm>>) target(%arg5 : memref<80x128xi32, #tpu.memory_space<vmem>>) target_semaphore(%run_scoped3A : memref<!tpu.dma_semaphore, #tpu.memory_space<semaphore_mem>>)
      %dma_wait3A = arith.constant 0 : i32
      %dma_wait3A_68 = arith.constant 0 : i32
      %dma_wait3A_69 = tpu.memref_slice %arg2[%add3A, %dma_wait3A, %dma_wait3A_68] : memref<32x80x128xi32, #tpu.memory_space<hbm>> -> memref<1x80x128xi32, #tpu.memory_space<hbm>>
      %dma_wait3A_70 = tpu.memref_squeeze %dma_wait3A_69 : memref<1x80x128xi32, #tpu.memory_space<hbm>> -> memref<80x128xi32, #tpu.memory_space<hbm>>
      %dma_wait3A_71 = arith.constant 0 : i32
      %dma_wait3A_72 = arith.constant 0 : i32
      %dma_wait3A_73 = tpu.memref_slice %arg2[%add3A, %dma_wait3A_71, %dma_wait3A_72] : memref<32x80x128xi32, #tpu.memory_space<hbm>> -> memref<1x80x128xi32, #tpu.memory_space<hbm>>
      %dma_wait3A_74 = tpu.memref_squeeze %dma_wait3A_73 : memref<1x80x128xi32, #tpu.memory_space<hbm>> -> memref<80x128xi32, #tpu.memory_space<hbm>>
      tpu.wait_dma2 semaphore(%run_scoped3A : memref<!tpu.dma_semaphore, #tpu.memory_space<semaphore_mem>>) src(%dma_wait3A_74 : memref<80x128xi32, #tpu.memory_space<hbm>>) dst(%arg5 : memref<80x128xi32, #tpu.memory_space<vmem>>)
      tpu.yield
    }) : () -> ()
    %broadcast_in_dim3A = arith.constant 1.000000e+00 : f32
    %broadcast_in_dim3A_1 = vector.broadcast %broadcast_in_dim3A : f32 to vector<16xf32>
    %swap3A = arith.constant 0 : index
    %swap3A_2 = tpu.vector_load %arg6[%swap3A] {strides = array<i32>} : memref<128xf32, #tpu.memory_space<vmem>>, vector<16xf32>,
    %swap3A_3 = vector.shape_cast %swap3A_2 : vector<16xf32> to vector<16xf32>
    %swap3A_4 = vector.shape_cast %broadcast_in_dim3A_1 : vector<16xf32> to vector<16xf32>
    tpu.vector_store %arg6[%swap3A], %swap3A_4 {strides = array<i32>} : memref<128xf32, #tpu.memory_space<vmem>>, vector<16xf32>,
    %broadcast_in_dim3A_5 = arith.constant 1.000000e+00 : f32
    %broadcast_in_dim3A_6 = vector.broadcast %broadcast_in_dim3A_5 : f32 to vector<16xf32>
    %swap3A_7 = arith.constant 16 : index
    %swap3A_8 = tpu.vector_load %arg6[%swap3A_7] {strides = array<i32>} : memref<128xf32, #tpu.memory_space<vmem>>, vector<16xf32>,
    %swap3A_9 = vector.shape_cast %swap3A_8 : vector<16xf32> to vector<16xf32>
    %swap3A_10 = vector.shape_cast %broadcast_in_dim3A_6 : vector<16xf32> to vector<16xf32>
    tpu.vector_store %arg6[%swap3A_7], %swap3A_10 {strides = array<i32>} : memref<128xf32, #tpu.memory_space<vmem>>, vector<16xf32>,
    %broadcast_in_dim3A_11 = arith.constant 1.000000e+00 : f32
    %broadcast_in_dim3A_12 = vector.broadcast %broadcast_in_dim3A_11 : f32 to vector<16xf32>
    %swap3A_13 = arith.constant 32 : index
    %swap3A_14 = tpu.vector_load %arg6[%swap3A_13] {strides = array<i32>} : memref<128xf32, #tpu.memory_space<vmem>>, vector<16xf32>,
    %swap3A_15 = vector.shape_cast %swap3A_14 : vector<16xf32> to vector<16xf32>
    %swap3A_16 = vector.shape_cast %broadcast_in_dim3A_12 : vector<16xf32> to vector<16xf32>
    tpu.vector_store %arg6[%swap3A_13], %swap3A_16 {strides = array<i32>} : memref<128xf32, #tpu.memory_space<vmem>>, vector<16xf32>,
    %broadcast_in_dim3A_17 = arith.constant 1.000000e+00 : f32
    %broadcast_in_dim3A_18 = vector.broadcast %broadcast_in_dim3A_17 : f32 to vector<16xf32>
    %swap3A_19 = arith.constant 48 : index
    %swap3A_20 = tpu.vector_load %arg6[%swap3A_19] {strides = array<i32>} : memref<128xf32, #tpu.memory_space<vmem>>, vector<16xf32>,
    %swap3A_21 = vector.shape_cast %swap3A_20 : vector<16xf32> to vector<16xf32>
    %swap3A_22 = vector.shape_cast %broadcast_in_dim3A_18 : vector<16xf32> to vector<16xf32>
    tpu.vector_store %arg6[%swap3A_19], %swap3A_22 {strides = array<i32>} : memref<128xf32, #tpu.memory_space<vmem>>, vector<16xf32>,
    %broadcast_in_dim3A_23 = arith.constant 1.000000e+00 : f32
    %broadcast_in_dim3A_24 = vector.broadcast %broadcast_in_dim3A_23 : f32 to vector<16xf32>
    %swap3A_25 = arith.constant 64 : index
    %swap3A_26 = tpu.vector_load %arg6[%swap3A_25] {strides = array<i32>} : memref<128xf32, #tpu.memory_space<vmem>>, vector<16xf32>,
    %swap3A_27 = vector.shape_cast %swap3A_26 : vector<16xf32> to vector<16xf32>
    %swap3A_28 = vector.shape_cast %broadcast_in_dim3A_24 : vector<16xf32> to vector<16xf32>
    tpu.vector_store %arg6[%swap3A_25], %swap3A_28 {strides = array<i32>} : memref<128xf32, #tpu.memory_space<vmem>>, vector<16xf32>,
    %broadcast_in_dim3A_29 = arith.constant 1.000000e+00 : f32
    %broadcast_in_dim3A_30 = vector.broadcast %broadcast_in_dim3A_29 : f32 to vector<16xf32>
    %swap3A_31 = arith.constant 80 : index
    %swap3A_32 = tpu.vector_load %arg6[%swap3A_31] {strides = array<i32>} : memref<128xf32, #tpu.memory_space<vmem>>, vector<16xf32>,
    %swap3A_33 = vector.shape_cast %swap3A_32 : vector<16xf32> to vector<16xf32>
    %swap3A_34 = vector.shape_cast %broadcast_in_dim3A_30 : vector<16xf32> to vector<16xf32>
    tpu.vector_store %arg6[%swap3A_31], %swap3A_34 {strides = array<i32>} : memref<128xf32, #tpu.memory_space<vmem>>, vector<16xf32>,
    %broadcast_in_dim3A_35 = arith.constant 1.000000e+00 : f32
    %broadcast_in_dim3A_36 = vector.broadcast %broadcast_in_dim3A_35 : f32 to vector<16xf32>
    %swap3A_37 = arith.constant 96 : index
    %swap3A_38 = tpu.vector_load %arg6[%swap3A_37] {strides = array<i32>} : memref<128xf32, #tpu.memory_space<vmem>>, vector<16xf32>,
    %swap3A_39 = vector.shape_cast %swap3A_38 : vector<16xf32> to vector<16xf32>
    %swap3A_40 = vector.shape_cast %broadcast_in_dim3A_36 : vector<16xf32> to vector<16xf32>
    tpu.vector_store %arg6[%swap3A_37], %swap3A_40 {strides = array<i32>} : memref<128xf32, #tpu.memory_space<vmem>>, vector<16xf32>,
    %broadcast_in_dim3A_41 = arith.constant 1.000000e+00 : f32
    %broadcast_in_dim3A_42 = vector.broadcast %broadcast_in_dim3A_41 : f32 to vector<16xf32>
    %swap3A_43 = arith.constant 112 : index
    %swap3A_44 = tpu.vector_load %arg6[%swap3A_43] {strides = array<i32>} : memref<128xf32, #tpu.memory_space<vmem>>, vector<16xf32>,
    %swap3A_45 = vector.shape_cast %swap3A_44 : vector<16xf32> to vector<16xf32>
    %swap3A_46 = vector.shape_cast %broadcast_in_dim3A_42 : vector<16xf32> to vector<16xf32>
    tpu.vector_store %arg6[%swap3A_43], %swap3A_46 {strides = array<i32>} : memref<128xf32, #tpu.memory_space<vmem>>, vector<16xf32>,
    %mul3A_47 = arith.constant 640 : i32
    %mul3A_48 = arith.muli %arg1, %mul3A_47 : i32
    %mul3A_49 = arith.constant 640 : i32
    %mul3A_50 = arith.muli %arg1, %mul3A_49 : i32
    "tpu.region"() ({
      %run_scoped3A = tpu.sem_alloc : memref<!tpu.dma_semaphore, #tpu.memory_space<semaphore_mem>>
      %dma_start3A = tpu.memref_slice %arg7[%mul3A_50] : memref<10240xf32, #tpu.memory_space<vmem_shared>> -> memref<640xf32, #tpu.memory_space<vmem_shared>>
      %dma_start3A_61 = tpu.memref_slice %arg3[%mul3A_48] : memref<10240xf32, #tpu.memory_space<hbm>> -> memref<640xf32, #tpu.memory_space<hbm>>
      tpu.enqueue_dma source(%dma_start3A_61 : memref<640xf32, #tpu.memory_space<hbm>>) target(%dma_start3A : memref<640xf32, #tpu.memory_space<vmem_shared>>) target_semaphore(%run_scoped3A : memref<!tpu.dma_semaphore, #tpu.memory_space<semaphore_mem>>)
      %dma_wait3A = tpu.memref_slice %arg7[%mul3A_50] : memref<10240xf32, #tpu.memory_space<vmem_shared>> -> memref<640xf32, #tpu.memory_space<vmem_shared>>
      %dma_wait3A_62 = tpu.memref_slice %arg3[%mul3A_48] : memref<10240xf32, #tpu.memory_space<hbm>> -> memref<640xf32, #tpu.memory_space<hbm>>
      tpu.wait_dma2 semaphore(%run_scoped3A : memref<!tpu.dma_semaphore, #tpu.memory_space<semaphore_mem>>) src(%dma_wait3A_62 : memref<640xf32, #tpu.memory_space<hbm>>) dst(%dma_wait3A : memref<640xf32, #tpu.memory_space<vmem_shared>>)
      tpu.yield
    }) : () -> ()
    %barrier3A = arith.constant 0 : index
    tpu.barrier barrier_id(%barrier3A)
    %scan3A = arith.constant 0 : i32
    %scan3A_51 = arith.constant 0 : i32
    %scan3A_52 = arith.constant 80 : i32
    %scan3A_53 = arith.addi %scan3A_51, %scan3A_52 : i32
    %scan3A_54 = arith.constant 1 : i32
    scf.for %scan3A_61 = %scan3A_51 to %scan3A_53 step %scan3A_54  : i32 {
      "tpu.region"() ({
        %run_scoped3A = tpu.sem_alloc : memref<!tpu.dma_semaphore, #tpu.memory_space<semaphore_mem>>
        %dma_start3A = arith.constant 0 : i32
        %dma_start3A_62 = tpu.memref_slice %arg5[%scan3A_61, %dma_start3A] : memref<80x128xi32, #tpu.memory_space<vmem>> -> memref<1x128xi32, #tpu.memory_space<vmem>>
        %dma_start3A_63 = tpu.memref_squeeze %dma_start3A_62 : memref<1x128xi32, #tpu.memory_space<vmem>> -> memref<128xi32, #tpu.memory_space<vmem>>
        %dma_start3A_64 = arith.constant 0 : i32
        %dma_start3A_65 = tpu.memref_slice %arg7[%dma_start3A_64] : memref<10240xf32, #tpu.memory_space<vmem_shared>> -> memref<10240xf32, #tpu.memory_space<vmem_shared>>
        tpu.enqueue_indirect_dma source(%arg6 : memref<128xf32, #tpu.memory_space<vmem>>) target(%dma_start3A_65 : memref<10240xf32, #tpu.memory_space<vmem_shared>>) offsets(%dma_start3A_63 : memref<128xi32, #tpu.memory_space<vmem>>) semaphore(%run_scoped3A : memref<!tpu.dma_semaphore, #tpu.memory_space<semaphore_mem>>) {add = true}
        %dma_wait3A = arith.constant 0 : i32
        %dma_wait3A_66 = tpu.memref_slice %arg5[%scan3A_61, %dma_wait3A] : memref<80x128xi32, #tpu.memory_space<vmem>> -> memref<1x128xi32, #tpu.memory_space<vmem>>
        %dma_wait3A_67 = tpu.memref_squeeze %dma_wait3A_66 : memref<1x128xi32, #tpu.memory_space<vmem>> -> memref<128xi32, #tpu.memory_space<vmem>>
        %dma_wait3A_68 = arith.constant 0 : i32
        %dma_wait3A_69 = tpu.memref_slice %arg7[%dma_wait3A_68] : memref<10240xf32, #tpu.memory_space<vmem_shared>> -> memref<10240xf32, #tpu.memory_space<vmem_shared>>
        tpu.wait_indirect_dma semaphore(%run_scoped3A : memref<!tpu.dma_semaphore, #tpu.memory_space<semaphore_mem>>) src(%arg6 : memref<128xf32, #tpu.memory_space<vmem>>) dst(%dma_wait3A_69 : memref<10240xf32, #tpu.memory_space<vmem_shared>>)
        tpu.yield
      }) : () -> ()
    }
    %scan3A_55 = arith.constant 80 : i32
    %barrier3A_56 = arith.constant 0 : index
    tpu.barrier barrier_id(%barrier3A_56)
    %mul3A_57 = arith.constant 640 : i32
    %mul3A_58 = arith.muli %arg1, %mul3A_57 : i32
    %mul3A_59 = arith.constant 640 : i32
    %mul3A_60 = arith.muli %arg1, %mul3A_59 : i32
    "tpu.region"() ({
      %run_scoped3A = tpu.sem_alloc : memref<!tpu.dma_semaphore, #tpu.memory_space<semaphore_mem>>
      %dma_start3A = tpu.memref_slice %arg4[%arg0, %mul3A_60] : memref<2x10240xf32, #tpu.memory_space<hbm>> -> memref<1x640xf32, #tpu.memory_space<hbm>>
      %dma_start3A_61 = tpu.memref_squeeze %dma_start3A : memref<1x640xf32, #tpu.memory_space<hbm>> -> memref<640xf32, #tpu.memory_space<hbm>>
      %dma_start3A_62 = tpu.memref_slice %arg7[%mul3A_58] : memref<10240xf32, #tpu.memory_space<vmem_shared>> -> memref<640xf32, #tpu.memory_space<vmem_shared>>
      tpu.enqueue_dma source(%dma_start3A_62 : memref<640xf32, #tpu.memory_space<vmem_shared>>) target(%dma_start3A_61 : memref<640xf32, #tpu.memory_space<hbm>>) target_semaphore(%run_scoped3A : memref<!tpu.dma_semaphore, #tpu.memory_space<semaphore_mem>>)
      %dma_wait3A = tpu.memref_slice %arg4[%arg0, %mul3A_60] : memref<2x10240xf32, #tpu.memory_space<hbm>> -> memref<1x640xf32, #tpu.memory_space<hbm>>
      %dma_wait3A_63 = tpu.memref_squeeze %dma_wait3A : memref<1x640xf32, #tpu.memory_space<hbm>> -> memref<640xf32, #tpu.memory_space<hbm>>
      %dma_wait3A_64 = tpu.memref_slice %arg7[%mul3A_58] : memref<10240xf32, #tpu.memory_space<vmem_shared>> -> memref<640xf32, #tpu.memory_space<vmem_shared>>
      tpu.wait_dma2 semaphore(%run_scoped3A : memref<!tpu.dma_semaphore, #tpu.memory_space<semaphore_mem>>) src(%dma_wait3A_64 : memref<640xf32, #tpu.memory_space<vmem_shared>>) dst(%dma_wait3A_63 : memref<640xf32, #tpu.memory_space<hbm>>)
      tpu.yield
    }) : () -> ()
    return
  }
}

#map = affine_map<(d0, d1) -> (0, 0, 0)>
#map1 = affine_map<(d0, d1) -> (0, 0)>
module attributes {stable_mosaic.version = 14 : i64} {
  func.func @_sc_message(%arg0: i32, %arg1: i32, %arg2: memref<32x80x128xi32, #tpu.memory_space<hbm>>, %arg3: memref<32x80x128xi32, #tpu.memory_space<hbm>>, %arg4: memref<10000x128xf32, #tpu.memory_space<hbm>>, %arg5: memref<10240x128xf32, #tpu.memory_space<hbm>>, %arg6: memref<2x10240x128xf32, #tpu.memory_space<hbm>>, %arg7: memref<80x128xi32, #tpu.memory_space<vmem>>, %arg8: memref<80x128xi32, #tpu.memory_space<vmem>>, %arg9: memref<128x128xf32, #tpu.memory_space<vmem>>, %arg10: memref<!tpu.dma_semaphore, #tpu.memory_space<semaphore_mem>>, %arg11: memref<10240x128xf32, #tpu.memory_space<vmem_shared>>) attributes {dimension_semantics = [#tpu.dimension_semantics<core_parallel>, #tpu.dimension_semantics<subcore_parallel>], iteration_bounds = array<i64: 2, 16>, scalar_prefetch = 0 : i64, scratch_operands = 5 : i64, tpu.core_type = #tpu.core_type<sc_vector_subcore>, window_params = [{transform_indices = #map}, {transform_indices = #map}, {transform_indices = #map1}, {transform_indices = #map1}, {transform_indices = #map}]} {
    %mul3A = arith.constant 2 : i32
    %mul3A_0 = arith.muli %arg1, %mul3A : i32
    %add3A = arith.addi %mul3A_0, %arg0 : i32
    "tpu.region"() ({
      %run_scoped3A = tpu.sem_alloc : memref<!tpu.dma_semaphore, #tpu.memory_space<semaphore_mem>>
      %dma_start3A = arith.constant 0 : i32
      %dma_start3A_15 = arith.constant 0 : i32
      %dma_start3A_16 = tpu.memref_slice %arg2[%add3A, %dma_start3A, %dma_start3A_15] : memref<32x80x128xi32, #tpu.memory_space<hbm>> -> memref<1x80x128xi32, #tpu.memory_space<hbm>>
      %dma_start3A_17 = tpu.memref_squeeze %dma_start3A_16 : memref<1x80x128xi32, #tpu.memory_space<hbm>> -> memref<80x128xi32, #tpu.memory_space<hbm>>
      %dma_start3A_18 = arith.constant 0 : i32
      %dma_start3A_19 = arith.constant 0 : i32
      %dma_start3A_20 = tpu.memref_slice %arg2[%add3A, %dma_start3A_18, %dma_start3A_19] : memref<32x80x128xi32, #tpu.memory_space<hbm>> -> memref<1x80x128xi32, #tpu.memory_space<hbm>>
      %dma_start3A_21 = tpu.memref_squeeze %dma_start3A_20 : memref<1x80x128xi32, #tpu.memory_space<hbm>> -> memref<80x128xi32, #tpu.memory_space<hbm>>
      tpu.enqueue_dma source(%dma_start3A_21 : memref<80x128xi32, #tpu.memory_space<hbm>>) target(%arg7 : memref<80x128xi32, #tpu.memory_space<vmem>>) target_semaphore(%run_scoped3A : memref<!tpu.dma_semaphore, #tpu.memory_space<semaphore_mem>>)
      %dma_wait3A = arith.constant 0 : i32
      %dma_wait3A_22 = arith.constant 0 : i32
      %dma_wait3A_23 = tpu.memref_slice %arg2[%add3A, %dma_wait3A, %dma_wait3A_22] : memref<32x80x128xi32, #tpu.memory_space<hbm>> -> memref<1x80x128xi32, #tpu.memory_space<hbm>>
      %dma_wait3A_24 = tpu.memref_squeeze %dma_wait3A_23 : memref<1x80x128xi32, #tpu.memory_space<hbm>> -> memref<80x128xi32, #tpu.memory_space<hbm>>
      %dma_wait3A_25 = arith.constant 0 : i32
      %dma_wait3A_26 = arith.constant 0 : i32
      %dma_wait3A_27 = tpu.memref_slice %arg2[%add3A, %dma_wait3A_25, %dma_wait3A_26] : memref<32x80x128xi32, #tpu.memory_space<hbm>> -> memref<1x80x128xi32, #tpu.memory_space<hbm>>
      %dma_wait3A_28 = tpu.memref_squeeze %dma_wait3A_27 : memref<1x80x128xi32, #tpu.memory_space<hbm>> -> memref<80x128xi32, #tpu.memory_space<hbm>>
      tpu.wait_dma2 semaphore(%run_scoped3A : memref<!tpu.dma_semaphore, #tpu.memory_space<semaphore_mem>>) src(%dma_wait3A_28 : memref<80x128xi32, #tpu.memory_space<hbm>>) dst(%arg7 : memref<80x128xi32, #tpu.memory_space<vmem>>)
      tpu.yield
    }) : () -> ()
    "tpu.region"() ({
      %run_scoped3A = tpu.sem_alloc : memref<!tpu.dma_semaphore, #tpu.memory_space<semaphore_mem>>
      %dma_start3A = arith.constant 0 : i32
      %dma_start3A_15 = arith.constant 0 : i32
      %dma_start3A_16 = tpu.memref_slice %arg3[%add3A, %dma_start3A, %dma_start3A_15] : memref<32x80x128xi32, #tpu.memory_space<hbm>> -> memref<1x80x128xi32, #tpu.memory_space<hbm>>
      %dma_start3A_17 = tpu.memref_squeeze %dma_start3A_16 : memref<1x80x128xi32, #tpu.memory_space<hbm>> -> memref<80x128xi32, #tpu.memory_space<hbm>>
      %dma_start3A_18 = arith.constant 0 : i32
      %dma_start3A_19 = arith.constant 0 : i32
      %dma_start3A_20 = tpu.memref_slice %arg3[%add3A, %dma_start3A_18, %dma_start3A_19] : memref<32x80x128xi32, #tpu.memory_space<hbm>> -> memref<1x80x128xi32, #tpu.memory_space<hbm>>
      %dma_start3A_21 = tpu.memref_squeeze %dma_start3A_20 : memref<1x80x128xi32, #tpu.memory_space<hbm>> -> memref<80x128xi32, #tpu.memory_space<hbm>>
      tpu.enqueue_dma source(%dma_start3A_21 : memref<80x128xi32, #tpu.memory_space<hbm>>) target(%arg8 : memref<80x128xi32, #tpu.memory_space<vmem>>) target_semaphore(%run_scoped3A : memref<!tpu.dma_semaphore, #tpu.memory_space<semaphore_mem>>)
      %dma_wait3A = arith.constant 0 : i32
      %dma_wait3A_22 = arith.constant 0 : i32
      %dma_wait3A_23 = tpu.memref_slice %arg3[%add3A, %dma_wait3A, %dma_wait3A_22] : memref<32x80x128xi32, #tpu.memory_space<hbm>> -> memref<1x80x128xi32, #tpu.memory_space<hbm>>
      %dma_wait3A_24 = tpu.memref_squeeze %dma_wait3A_23 : memref<1x80x128xi32, #tpu.memory_space<hbm>> -> memref<80x128xi32, #tpu.memory_space<hbm>>
      %dma_wait3A_25 = arith.constant 0 : i32
      %dma_wait3A_26 = arith.constant 0 : i32
      %dma_wait3A_27 = tpu.memref_slice %arg3[%add3A, %dma_wait3A_25, %dma_wait3A_26] : memref<32x80x128xi32, #tpu.memory_space<hbm>> -> memref<1x80x128xi32, #tpu.memory_space<hbm>>
      %dma_wait3A_28 = tpu.memref_squeeze %dma_wait3A_27 : memref<1x80x128xi32, #tpu.memory_space<hbm>> -> memref<80x128xi32, #tpu.memory_space<hbm>>
      tpu.wait_dma2 semaphore(%run_scoped3A : memref<!tpu.dma_semaphore, #tpu.memory_space<semaphore_mem>>) src(%dma_wait3A_28 : memref<80x128xi32, #tpu.memory_space<hbm>>) dst(%arg8 : memref<80x128xi32, #tpu.memory_space<vmem>>)
      tpu.yield
    }) : () -> ()
    %mul3A_1 = arith.constant 640 : i32
    %mul3A_2 = arith.muli %arg1, %mul3A_1 : i32
    %mul3A_3 = arith.constant 640 : i32
    %mul3A_4 = arith.muli %arg1, %mul3A_3 : i32
    "tpu.region"() ({
      %run_scoped3A = tpu.sem_alloc : memref<!tpu.dma_semaphore, #tpu.memory_space<semaphore_mem>>
      %dma_start3A = arith.constant 0 : i32
      %dma_start3A_15 = tpu.memref_slice %arg11[%mul3A_4, %dma_start3A] : memref<10240x128xf32, #tpu.memory_space<vmem_shared>> -> memref<640x128xf32, #tpu.memory_space<vmem_shared>>
      %dma_start3A_16 = arith.constant 0 : i32
      %dma_start3A_17 = tpu.memref_slice %arg5[%mul3A_2, %dma_start3A_16] : memref<10240x128xf32, #tpu.memory_space<hbm>> -> memref<640x128xf32, #tpu.memory_space<hbm>>
      tpu.enqueue_dma source(%dma_start3A_17 : memref<640x128xf32, #tpu.memory_space<hbm>>) target(%dma_start3A_15 : memref<640x128xf32, #tpu.memory_space<vmem_shared>>) target_semaphore(%run_scoped3A : memref<!tpu.dma_semaphore, #tpu.memory_space<semaphore_mem>>)
      %dma_wait3A = arith.constant 0 : i32
      %dma_wait3A_18 = tpu.memref_slice %arg11[%mul3A_4, %dma_wait3A] : memref<10240x128xf32, #tpu.memory_space<vmem_shared>> -> memref<640x128xf32, #tpu.memory_space<vmem_shared>>
      %dma_wait3A_19 = arith.constant 0 : i32
      %dma_wait3A_20 = tpu.memref_slice %arg5[%mul3A_2, %dma_wait3A_19] : memref<10240x128xf32, #tpu.memory_space<hbm>> -> memref<640x128xf32, #tpu.memory_space<hbm>>
      tpu.wait_dma2 semaphore(%run_scoped3A : memref<!tpu.dma_semaphore, #tpu.memory_space<semaphore_mem>>) src(%dma_wait3A_20 : memref<640x128xf32, #tpu.memory_space<hbm>>) dst(%dma_wait3A_18 : memref<640x128xf32, #tpu.memory_space<vmem_shared>>)
      tpu.yield
    }) : () -> ()
    %barrier3A = arith.constant 0 : index
    tpu.barrier barrier_id(%barrier3A)
    %scan3A = arith.constant 0 : i32
    %scan3A_5 = arith.constant 0 : i32
    %scan3A_6 = arith.constant 80 : i32
    %scan3A_7 = arith.addi %scan3A_5, %scan3A_6 : i32
    %scan3A_8 = arith.constant 1 : i32
    scf.for %scan3A_15 = %scan3A_5 to %scan3A_7 step %scan3A_8  : i32 {
      %dma_start3A = arith.constant 0 : i32
      %dma_start3A_16 = tpu.memref_slice %arg7[%scan3A_15, %dma_start3A] : memref<80x128xi32, #tpu.memory_space<vmem>> -> memref<1x128xi32, #tpu.memory_space<vmem>>
      %dma_start3A_17 = tpu.memref_squeeze %dma_start3A_16 : memref<1x128xi32, #tpu.memory_space<vmem>> -> memref<128xi32, #tpu.memory_space<vmem>>
      %dma_start3A_18 = arith.constant 0 : i32
      %dma_start3A_19 = arith.constant 0 : i32
      %dma_start3A_20 = tpu.memref_slice %arg4[%dma_start3A_18, %dma_start3A_19] : memref<10000x128xf32, #tpu.memory_space<hbm>> -> memref<10000x128xf32, #tpu.memory_space<hbm>>
      tpu.enqueue_indirect_dma source(%dma_start3A_20 : memref<10000x128xf32, #tpu.memory_space<hbm>>) target(%arg9 : memref<128x128xf32, #tpu.memory_space<vmem>>) offsets(%dma_start3A_17 : memref<128xi32, #tpu.memory_space<vmem>>) semaphore(%arg10 : memref<!tpu.dma_semaphore, #tpu.memory_space<semaphore_mem>>)
      %dma_wait3A = arith.constant 0 : i32
      %dma_wait3A_21 = tpu.memref_slice %arg7[%scan3A_15, %dma_wait3A] : memref<80x128xi32, #tpu.memory_space<vmem>> -> memref<1x128xi32, #tpu.memory_space<vmem>>
      %dma_wait3A_22 = tpu.memref_squeeze %dma_wait3A_21 : memref<1x128xi32, #tpu.memory_space<vmem>> -> memref<128xi32, #tpu.memory_space<vmem>>
      %dma_wait3A_23 = arith.constant 0 : i32
      %dma_wait3A_24 = arith.constant 0 : i32
      %dma_wait3A_25 = tpu.memref_slice %arg4[%dma_wait3A_23, %dma_wait3A_24] : memref<10000x128xf32, #tpu.memory_space<hbm>> -> memref<10000x128xf32, #tpu.memory_space<hbm>>
      tpu.wait_indirect_dma semaphore(%arg10 : memref<!tpu.dma_semaphore, #tpu.memory_space<semaphore_mem>>) src(%dma_wait3A_25 : memref<10000x128xf32, #tpu.memory_space<hbm>>) dst(%arg9 : memref<128x128xf32, #tpu.memory_space<vmem>>)
      "tpu.region"() ({
        %run_scoped3A = tpu.sem_alloc : memref<!tpu.dma_semaphore, #tpu.memory_space<semaphore_mem>>
        %dma_start3A_26 = arith.constant 0 : i32
        %dma_start3A_27 = tpu.memref_slice %arg8[%scan3A_15, %dma_start3A_26] : memref<80x128xi32, #tpu.memory_space<vmem>> -> memref<1x128xi32, #tpu.memory_space<vmem>>
        %dma_start3A_28 = tpu.memref_squeeze %dma_start3A_27 : memref<1x128xi32, #tpu.memory_space<vmem>> -> memref<128xi32, #tpu.memory_space<vmem>>
        %dma_start3A_29 = arith.constant 0 : i32
        %dma_start3A_30 = arith.constant 0 : i32
        %dma_start3A_31 = tpu.memref_slice %arg11[%dma_start3A_29, %dma_start3A_30] : memref<10240x128xf32, #tpu.memory_space<vmem_shared>> -> memref<10240x128xf32, #tpu.memory_space<vmem_shared>>
        tpu.enqueue_indirect_dma source(%arg9 : memref<128x128xf32, #tpu.memory_space<vmem>>) target(%dma_start3A_31 : memref<10240x128xf32, #tpu.memory_space<vmem_shared>>) offsets(%dma_start3A_28 : memref<128xi32, #tpu.memory_space<vmem>>) semaphore(%run_scoped3A : memref<!tpu.dma_semaphore, #tpu.memory_space<semaphore_mem>>) {add = true}
        %dma_wait3A_32 = arith.constant 0 : i32
        %dma_wait3A_33 = tpu.memref_slice %arg8[%scan3A_15, %dma_wait3A_32] : memref<80x128xi32, #tpu.memory_space<vmem>> -> memref<1x128xi32, #tpu.memory_space<vmem>>
        %dma_wait3A_34 = tpu.memref_squeeze %dma_wait3A_33 : memref<1x128xi32, #tpu.memory_space<vmem>> -> memref<128xi32, #tpu.memory_space<vmem>>
        %dma_wait3A_35 = arith.constant 0 : i32
        %dma_wait3A_36 = arith.constant 0 : i32
        %dma_wait3A_37 = tpu.memref_slice %arg11[%dma_wait3A_35, %dma_wait3A_36] : memref<10240x128xf32, #tpu.memory_space<vmem_shared>> -> memref<10240x128xf32, #tpu.memory_space<vmem_shared>>
        tpu.wait_indirect_dma semaphore(%run_scoped3A : memref<!tpu.dma_semaphore, #tpu.memory_space<semaphore_mem>>) src(%arg9 : memref<128x128xf32, #tpu.memory_space<vmem>>) dst(%dma_wait3A_37 : memref<10240x128xf32, #tpu.memory_space<vmem_shared>>)
        tpu.yield
      }) : () -> ()
    }
    %scan3A_9 = arith.constant 80 : i32
    %barrier3A_10 = arith.constant 0 : index
    tpu.barrier barrier_id(%barrier3A_10)
    %mul3A_11 = arith.constant 640 : i32
    %mul3A_12 = arith.muli %arg1, %mul3A_11 : i32
    %mul3A_13 = arith.constant 640 : i32
    %mul3A_14 = arith.muli %arg1, %mul3A_13 : i32
    "tpu.region"() ({
      %run_scoped3A = tpu.sem_alloc : memref<!tpu.dma_semaphore, #tpu.memory_space<semaphore_mem>>
      %dma_start3A = arith.constant 0 : i32
      %dma_start3A_15 = tpu.memref_slice %arg6[%arg0, %mul3A_14, %dma_start3A] : memref<2x10240x128xf32, #tpu.memory_space<hbm>> -> memref<1x640x128xf32, #tpu.memory_space<hbm>>
      %dma_start3A_16 = tpu.memref_squeeze %dma_start3A_15 : memref<1x640x128xf32, #tpu.memory_space<hbm>> -> memref<640x128xf32, #tpu.memory_space<hbm>>
      %dma_start3A_17 = arith.constant 0 : i32
      %dma_start3A_18 = tpu.memref_slice %arg11[%mul3A_12, %dma_start3A_17] : memref<10240x128xf32, #tpu.memory_space<vmem_shared>> -> memref<640x128xf32, #tpu.memory_space<vmem_shared>>
      tpu.enqueue_dma source(%dma_start3A_18 : memref<640x128xf32, #tpu.memory_space<vmem_shared>>) target(%dma_start3A_16 : memref<640x128xf32, #tpu.memory_space<hbm>>) target_semaphore(%run_scoped3A : memref<!tpu.dma_semaphore, #tpu.memory_space<semaphore_mem>>)
      %dma_wait3A = arith.constant 0 : i32
      %dma_wait3A_19 = tpu.memref_slice %arg6[%arg0, %mul3A_14, %dma_wait3A] : memref<2x10240x128xf32, #tpu.memory_space<hbm>> -> memref<1x640x128xf32, #tpu.memory_space<hbm>>
      %dma_wait3A_20 = tpu.memref_squeeze %dma_wait3A_19 : memref<1x640x128xf32, #tpu.memory_space<hbm>> -> memref<640x128xf32, #tpu.memory_space<hbm>>
      %dma_wait3A_21 = arith.constant 0 : i32
      %dma_wait3A_22 = tpu.memref_slice %arg11[%mul3A_12, %dma_wait3A_21] : memref<10240x128xf32, #tpu.memory_space<vmem_shared>> -> memref<640x128xf32, #tpu.memory_space<vmem_shared>>
      tpu.wait_dma2 semaphore(%run_scoped3A : memref<!tpu.dma_semaphore, #tpu.memory_space<semaphore_mem>>) src(%dma_wait3A_22 : memref<640x128xf32, #tpu.memory_space<vmem_shared>>) dst(%dma_wait3A_20 : memref<640x128xf32, #tpu.memory_space<hbm>>)
      tpu.yield
    }) : () -> ()
    return
  }
}

#map = affine_map<(d0, d1) -> (0, 0, 0)>
#map1 = affine_map<(d0, d1) -> (0, 0)>
module attributes {stable_mosaic.version = 14 : i64} {
  func.func @_sc_message(%arg0: i32, %arg1: i32, %arg2: memref<32x80x128xi32, #tpu.memory_space<hbm>>, %arg3: memref<32x80x128xi32, #tpu.memory_space<hbm>>, %arg4: memref<10000x128xf32, #tpu.memory_space<hbm>>, %arg5: memref<10240x128xf32, #tpu.memory_space<hbm>>, %arg6: memref<2x10240x128xf32, #tpu.memory_space<hbm>>, %arg7: memref<80x128xi32, #tpu.memory_space<vmem>>, %arg8: memref<80x128xi32, #tpu.memory_space<vmem>>, %arg9: memref<128x128xf32, #tpu.memory_space<vmem>>, %arg10: memref<!tpu.dma_semaphore, #tpu.memory_space<semaphore_mem>>, %arg11: memref<10240x128xf32, #tpu.memory_space<vmem_shared>>) attributes {dimension_semantics = [#tpu.dimension_semantics<core_parallel>, #tpu.dimension_semantics<subcore_parallel>], iteration_bounds = array<i64: 2, 16>, scalar_prefetch = 0 : i64, scratch_operands = 5 : i64, tpu.core_type = #tpu.core_type<sc_vector_subcore>, window_params = [{transform_indices = #map}, {transform_indices = #map}, {transform_indices = #map1}, {transform_indices = #map1}, {transform_indices = #map}]} {
    %mul3A = arith.constant 2 : i32
    %mul3A_0 = arith.muli %arg1, %mul3A : i32
    %add3A = arith.addi %mul3A_0, %arg0 : i32
    "tpu.region"() ({
      %run_scoped3A = tpu.sem_alloc : memref<!tpu.dma_semaphore, #tpu.memory_space<semaphore_mem>>
      %dma_start3A = arith.constant 0 : i32
      %dma_start3A_15 = arith.constant 0 : i32
      %dma_start3A_16 = tpu.memref_slice %arg2[%add3A, %dma_start3A, %dma_start3A_15] : memref<32x80x128xi32, #tpu.memory_space<hbm>> -> memref<1x80x128xi32, #tpu.memory_space<hbm>>
      %dma_start3A_17 = tpu.memref_squeeze %dma_start3A_16 : memref<1x80x128xi32, #tpu.memory_space<hbm>> -> memref<80x128xi32, #tpu.memory_space<hbm>>
      %dma_start3A_18 = arith.constant 0 : i32
      %dma_start3A_19 = arith.constant 0 : i32
      %dma_start3A_20 = tpu.memref_slice %arg2[%add3A, %dma_start3A_18, %dma_start3A_19] : memref<32x80x128xi32, #tpu.memory_space<hbm>> -> memref<1x80x128xi32, #tpu.memory_space<hbm>>
      %dma_start3A_21 = tpu.memref_squeeze %dma_start3A_20 : memref<1x80x128xi32, #tpu.memory_space<hbm>> -> memref<80x128xi32, #tpu.memory_space<hbm>>
      tpu.enqueue_dma source(%dma_start3A_21 : memref<80x128xi32, #tpu.memory_space<hbm>>) target(%arg7 : memref<80x128xi32, #tpu.memory_space<vmem>>) target_semaphore(%run_scoped3A : memref<!tpu.dma_semaphore, #tpu.memory_space<semaphore_mem>>)
      %dma_wait3A = arith.constant 0 : i32
      %dma_wait3A_22 = arith.constant 0 : i32
      %dma_wait3A_23 = tpu.memref_slice %arg2[%add3A, %dma_wait3A, %dma_wait3A_22] : memref<32x80x128xi32, #tpu.memory_space<hbm>> -> memref<1x80x128xi32, #tpu.memory_space<hbm>>
      %dma_wait3A_24 = tpu.memref_squeeze %dma_wait3A_23 : memref<1x80x128xi32, #tpu.memory_space<hbm>> -> memref<80x128xi32, #tpu.memory_space<hbm>>
      %dma_wait3A_25 = arith.constant 0 : i32
      %dma_wait3A_26 = arith.constant 0 : i32
      %dma_wait3A_27 = tpu.memref_slice %arg2[%add3A, %dma_wait3A_25, %dma_wait3A_26] : memref<32x80x128xi32, #tpu.memory_space<hbm>> -> memref<1x80x128xi32, #tpu.memory_space<hbm>>
      %dma_wait3A_28 = tpu.memref_squeeze %dma_wait3A_27 : memref<1x80x128xi32, #tpu.memory_space<hbm>> -> memref<80x128xi32, #tpu.memory_space<hbm>>
      tpu.wait_dma2 semaphore(%run_scoped3A : memref<!tpu.dma_semaphore, #tpu.memory_space<semaphore_mem>>) src(%dma_wait3A_28 : memref<80x128xi32, #tpu.memory_space<hbm>>) dst(%arg7 : memref<80x128xi32, #tpu.memory_space<vmem>>)
      tpu.yield
    }) : () -> ()
    "tpu.region"() ({
      %run_scoped3A = tpu.sem_alloc : memref<!tpu.dma_semaphore, #tpu.memory_space<semaphore_mem>>
      %dma_start3A = arith.constant 0 : i32
      %dma_start3A_15 = arith.constant 0 : i32
      %dma_start3A_16 = tpu.memref_slice %arg3[%add3A, %dma_start3A, %dma_start3A_15] : memref<32x80x128xi32, #tpu.memory_space<hbm>> -> memref<1x80x128xi32, #tpu.memory_space<hbm>>
      %dma_start3A_17 = tpu.memref_squeeze %dma_start3A_16 : memref<1x80x128xi32, #tpu.memory_space<hbm>> -> memref<80x128xi32, #tpu.memory_space<hbm>>
      %dma_start3A_18 = arith.constant 0 : i32
      %dma_start3A_19 = arith.constant 0 : i32
      %dma_start3A_20 = tpu.memref_slice %arg3[%add3A, %dma_start3A_18, %dma_start3A_19] : memref<32x80x128xi32, #tpu.memory_space<hbm>> -> memref<1x80x128xi32, #tpu.memory_space<hbm>>
      %dma_start3A_21 = tpu.memref_squeeze %dma_start3A_20 : memref<1x80x128xi32, #tpu.memory_space<hbm>> -> memref<80x128xi32, #tpu.memory_space<hbm>>
      tpu.enqueue_dma source(%dma_start3A_21 : memref<80x128xi32, #tpu.memory_space<hbm>>) target(%arg8 : memref<80x128xi32, #tpu.memory_space<vmem>>) target_semaphore(%run_scoped3A : memref<!tpu.dma_semaphore, #tpu.memory_space<semaphore_mem>>)
      %dma_wait3A = arith.constant 0 : i32
      %dma_wait3A_22 = arith.constant 0 : i32
      %dma_wait3A_23 = tpu.memref_slice %arg3[%add3A, %dma_wait3A, %dma_wait3A_22] : memref<32x80x128xi32, #tpu.memory_space<hbm>> -> memref<1x80x128xi32, #tpu.memory_space<hbm>>
      %dma_wait3A_24 = tpu.memref_squeeze %dma_wait3A_23 : memref<1x80x128xi32, #tpu.memory_space<hbm>> -> memref<80x128xi32, #tpu.memory_space<hbm>>
      %dma_wait3A_25 = arith.constant 0 : i32
      %dma_wait3A_26 = arith.constant 0 : i32
      %dma_wait3A_27 = tpu.memref_slice %arg3[%add3A, %dma_wait3A_25, %dma_wait3A_26] : memref<32x80x128xi32, #tpu.memory_space<hbm>> -> memref<1x80x128xi32, #tpu.memory_space<hbm>>
      %dma_wait3A_28 = tpu.memref_squeeze %dma_wait3A_27 : memref<1x80x128xi32, #tpu.memory_space<hbm>> -> memref<80x128xi32, #tpu.memory_space<hbm>>
      tpu.wait_dma2 semaphore(%run_scoped3A : memref<!tpu.dma_semaphore, #tpu.memory_space<semaphore_mem>>) src(%dma_wait3A_28 : memref<80x128xi32, #tpu.memory_space<hbm>>) dst(%arg8 : memref<80x128xi32, #tpu.memory_space<vmem>>)
      tpu.yield
    }) : () -> ()
    %mul3A_1 = arith.constant 640 : i32
    %mul3A_2 = arith.muli %arg1, %mul3A_1 : i32
    %mul3A_3 = arith.constant 640 : i32
    %mul3A_4 = arith.muli %arg1, %mul3A_3 : i32
    "tpu.region"() ({
      %run_scoped3A = tpu.sem_alloc : memref<!tpu.dma_semaphore, #tpu.memory_space<semaphore_mem>>
      %dma_start3A = arith.constant 0 : i32
      %dma_start3A_15 = tpu.memref_slice %arg11[%mul3A_4, %dma_start3A] : memref<10240x128xf32, #tpu.memory_space<vmem_shared>> -> memref<640x128xf32, #tpu.memory_space<vmem_shared>>
      %dma_start3A_16 = arith.constant 0 : i32
      %dma_start3A_17 = tpu.memref_slice %arg5[%mul3A_2, %dma_start3A_16] : memref<10240x128xf32, #tpu.memory_space<hbm>> -> memref<640x128xf32, #tpu.memory_space<hbm>>
      tpu.enqueue_dma source(%dma_start3A_17 : memref<640x128xf32, #tpu.memory_space<hbm>>) target(%dma_start3A_15 : memref<640x128xf32, #tpu.memory_space<vmem_shared>>) target_semaphore(%run_scoped3A : memref<!tpu.dma_semaphore, #tpu.memory_space<semaphore_mem>>)
      %dma_wait3A = arith.constant 0 : i32
      %dma_wait3A_18 = tpu.memref_slice %arg11[%mul3A_4, %dma_wait3A] : memref<10240x128xf32, #tpu.memory_space<vmem_shared>> -> memref<640x128xf32, #tpu.memory_space<vmem_shared>>
      %dma_wait3A_19 = arith.constant 0 : i32
      %dma_wait3A_20 = tpu.memref_slice %arg5[%mul3A_2, %dma_wait3A_19] : memref<10240x128xf32, #tpu.memory_space<hbm>> -> memref<640x128xf32, #tpu.memory_space<hbm>>
      tpu.wait_dma2 semaphore(%run_scoped3A : memref<!tpu.dma_semaphore, #tpu.memory_space<semaphore_mem>>) src(%dma_wait3A_20 : memref<640x128xf32, #tpu.memory_space<hbm>>) dst(%dma_wait3A_18 : memref<640x128xf32, #tpu.memory_space<vmem_shared>>)
      tpu.yield
    }) : () -> ()
    %barrier3A = arith.constant 0 : index
    tpu.barrier barrier_id(%barrier3A)
    %scan3A = arith.constant 0 : i32
    %scan3A_5 = arith.constant 0 : i32
    %scan3A_6 = arith.constant 80 : i32
    %scan3A_7 = arith.addi %scan3A_5, %scan3A_6 : i32
    %scan3A_8 = arith.constant 1 : i32
    scf.for %scan3A_15 = %scan3A_5 to %scan3A_7 step %scan3A_8  : i32 {
      %dma_start3A = arith.constant 0 : i32
      %dma_start3A_16 = tpu.memref_slice %arg7[%scan3A_15, %dma_start3A] : memref<80x128xi32, #tpu.memory_space<vmem>> -> memref<1x128xi32, #tpu.memory_space<vmem>>
      %dma_start3A_17 = tpu.memref_squeeze %dma_start3A_16 : memref<1x128xi32, #tpu.memory_space<vmem>> -> memref<128xi32, #tpu.memory_space<vmem>>
      %dma_start3A_18 = arith.constant 0 : i32
      %dma_start3A_19 = arith.constant 0 : i32
      %dma_start3A_20 = tpu.memref_slice %arg4[%dma_start3A_18, %dma_start3A_19] : memref<10000x128xf32, #tpu.memory_space<hbm>> -> memref<10000x128xf32, #tpu.memory_space<hbm>>
      tpu.enqueue_indirect_dma source(%dma_start3A_20 : memref<10000x128xf32, #tpu.memory_space<hbm>>) target(%arg9 : memref<128x128xf32, #tpu.memory_space<vmem>>) offsets(%dma_start3A_17 : memref<128xi32, #tpu.memory_space<vmem>>) semaphore(%arg10 : memref<!tpu.dma_semaphore, #tpu.memory_space<semaphore_mem>>)
      %dma_wait3A = arith.constant 0 : i32
      %dma_wait3A_21 = tpu.memref_slice %arg7[%scan3A_15, %dma_wait3A] : memref<80x128xi32, #tpu.memory_space<vmem>> -> memref<1x128xi32, #tpu.memory_space<vmem>>
      %dma_wait3A_22 = tpu.memref_squeeze %dma_wait3A_21 : memref<1x128xi32, #tpu.memory_space<vmem>> -> memref<128xi32, #tpu.memory_space<vmem>>
      %dma_wait3A_23 = arith.constant 0 : i32
      %dma_wait3A_24 = arith.constant 0 : i32
      %dma_wait3A_25 = tpu.memref_slice %arg4[%dma_wait3A_23, %dma_wait3A_24] : memref<10000x128xf32, #tpu.memory_space<hbm>> -> memref<10000x128xf32, #tpu.memory_space<hbm>>
      tpu.wait_indirect_dma semaphore(%arg10 : memref<!tpu.dma_semaphore, #tpu.memory_space<semaphore_mem>>) src(%dma_wait3A_25 : memref<10000x128xf32, #tpu.memory_space<hbm>>) dst(%arg9 : memref<128x128xf32, #tpu.memory_space<vmem>>)
      "tpu.region"() ({
        %run_scoped3A = tpu.sem_alloc : memref<!tpu.dma_semaphore, #tpu.memory_space<semaphore_mem>>
        %dma_start3A_26 = arith.constant 0 : i32
        %dma_start3A_27 = tpu.memref_slice %arg8[%scan3A_15, %dma_start3A_26] : memref<80x128xi32, #tpu.memory_space<vmem>> -> memref<1x128xi32, #tpu.memory_space<vmem>>
        %dma_start3A_28 = tpu.memref_squeeze %dma_start3A_27 : memref<1x128xi32, #tpu.memory_space<vmem>> -> memref<128xi32, #tpu.memory_space<vmem>>
        %dma_start3A_29 = arith.constant 0 : i32
        %dma_start3A_30 = arith.constant 0 : i32
        %dma_start3A_31 = tpu.memref_slice %arg11[%dma_start3A_29, %dma_start3A_30] : memref<10240x128xf32, #tpu.memory_space<vmem_shared>> -> memref<10240x128xf32, #tpu.memory_space<vmem_shared>>
        tpu.enqueue_indirect_dma source(%arg9 : memref<128x128xf32, #tpu.memory_space<vmem>>) target(%dma_start3A_31 : memref<10240x128xf32, #tpu.memory_space<vmem_shared>>) offsets(%dma_start3A_28 : memref<128xi32, #tpu.memory_space<vmem>>) semaphore(%run_scoped3A : memref<!tpu.dma_semaphore, #tpu.memory_space<semaphore_mem>>) {add = true}
        %dma_wait3A_32 = arith.constant 0 : i32
        %dma_wait3A_33 = tpu.memref_slice %arg8[%scan3A_15, %dma_wait3A_32] : memref<80x128xi32, #tpu.memory_space<vmem>> -> memref<1x128xi32, #tpu.memory_space<vmem>>
        %dma_wait3A_34 = tpu.memref_squeeze %dma_wait3A_33 : memref<1x128xi32, #tpu.memory_space<vmem>> -> memref<128xi32, #tpu.memory_space<vmem>>
        %dma_wait3A_35 = arith.constant 0 : i32
        %dma_wait3A_36 = arith.constant 0 : i32
        %dma_wait3A_37 = tpu.memref_slice %arg11[%dma_wait3A_35, %dma_wait3A_36] : memref<10240x128xf32, #tpu.memory_space<vmem_shared>> -> memref<10240x128xf32, #tpu.memory_space<vmem_shared>>
        tpu.wait_indirect_dma semaphore(%run_scoped3A : memref<!tpu.dma_semaphore, #tpu.memory_space<semaphore_mem>>) src(%arg9 : memref<128x128xf32, #tpu.memory_space<vmem>>) dst(%dma_wait3A_37 : memref<10240x128xf32, #tpu.memory_space<vmem_shared>>)
        tpu.yield
      }) : () -> ()
    }
    %scan3A_9 = arith.constant 80 : i32
    %barrier3A_10 = arith.constant 0 : index
    tpu.barrier barrier_id(%barrier3A_10)
    %mul3A_11 = arith.constant 640 : i32
    %mul3A_12 = arith.muli %arg1, %mul3A_11 : i32
    %mul3A_13 = arith.constant 640 : i32
    %mul3A_14 = arith.muli %arg1, %mul3A_13 : i32
    "tpu.region"() ({
      %run_scoped3A = tpu.sem_alloc : memref<!tpu.dma_semaphore, #tpu.memory_space<semaphore_mem>>
      %dma_start3A = arith.constant 0 : i32
      %dma_start3A_15 = tpu.memref_slice %arg6[%arg0, %mul3A_14, %dma_start3A] : memref<2x10240x128xf32, #tpu.memory_space<hbm>> -> memref<1x640x128xf32, #tpu.memory_space<hbm>>
      %dma_start3A_16 = tpu.memref_squeeze %dma_start3A_15 : memref<1x640x128xf32, #tpu.memory_space<hbm>> -> memref<640x128xf32, #tpu.memory_space<hbm>>
      %dma_start3A_17 = arith.constant 0 : i32
      %dma_start3A_18 = tpu.memref_slice %arg11[%mul3A_12, %dma_start3A_17] : memref<10240x128xf32, #tpu.memory_space<vmem_shared>> -> memref<640x128xf32, #tpu.memory_space<vmem_shared>>
      tpu.enqueue_dma source(%dma_start3A_18 : memref<640x128xf32, #tpu.memory_space<vmem_shared>>) target(%dma_start3A_16 : memref<640x128xf32, #tpu.memory_space<hbm>>) target_semaphore(%run_scoped3A : memref<!tpu.dma_semaphore, #tpu.memory_space<semaphore_mem>>)
      %dma_wait3A = arith.constant 0 : i32
      %dma_wait3A_19 = tpu.memref_slice %arg6[%arg0, %mul3A_14, %dma_wait3A] : memref<2x10240x128xf32, #tpu.memory_space<hbm>> -> memref<1x640x128xf32, #tpu.memory_space<hbm>>
      %dma_wait3A_20 = tpu.memref_squeeze %dma_wait3A_19 : memref<1x640x128xf32, #tpu.memory_space<hbm>> -> memref<640x128xf32, #tpu.memory_space<hbm>>
      %dma_wait3A_21 = arith.constant 0 : i32
      %dma_wait3A_22 = tpu.memref_slice %arg11[%mul3A_12, %dma_wait3A_21] : memref<10240x128xf32, #tpu.memory_space<vmem_shared>> -> memref<640x128xf32, #tpu.memory_space<vmem_shared>>
      tpu.wait_dma2 semaphore(%run_scoped3A : memref<!tpu.dma_semaphore, #tpu.memory_space<semaphore_mem>>) src(%dma_wait3A_22 : memref<640x128xf32, #tpu.memory_space<vmem_shared>>) dst(%dma_wait3A_20 : memref<640x128xf32, #tpu.memory_space<hbm>>)
      tpu.yield
    }) : () -> ()
    return
  }
}

module attributes {stable_mosaic.version = 14 : i64} {
  func.func @_tc1_body(%arg0: i32, %arg1: memref<1000x128xf32, #tpu.memory_space<vmem>>, %arg2: memref<1x128x128xf32, #tpu.memory_space<vmem>>, %arg3: memref<1x1x128xf32, #tpu.memory_space<vmem>>, %arg4: memref<1x1x1000xf32, #tpu.memory_space<vmem>>, %arg5: memref<1x1x1000xf32, #tpu.memory_space<vmem>>, %arg6: memref<1000x128xf32, #tpu.memory_space<vmem>>, %arg7: memref<1000x128xf32, #tpu.memory_space<vmem>>, %arg8: memref<1x1x1000xf32, #tpu.memory_space<vmem>>) attributes {dimension_semantics = [#tpu.dimension_semantics<arbitrary>], iteration_bounds = array<i64: 10>, scalar_prefetch = 0 : i64, scratch_operands = 0 : i64, tpu.core_type = #tpu.core_type<tc>, window_params = [{transform_indices = @transform_0, window_bounds = array<i64: 1000, 128>}, {transform_indices = @transform_1, window_bounds = array<i64: 1, 128, 128>}, {transform_indices = @transform_2, window_bounds = array<i64: 1, 1, 128>}, {transform_indices = @transform_3, window_bounds = array<i64: 1, 1, 1000>}, {transform_indices = @transform_4, window_bounds = array<i64: 1, 1, 1000>}, {transform_indices = @transform_5, window_bounds = array<i64: 1000, 128>}, {transform_indices = @transform_6, window_bounds = array<i64: 1000, 128>}, {transform_indices = @transform_7, window_bounds = array<i64: 1, 1, 1000>}]} {
    %get3A = arith.constant 0 : index
    %get3A_0 = arith.constant 0 : index
    %get3A_1 = arith.constant 0 : index
    %get3A_2 = vector.load %arg4[%get3A, %get3A_0, %get3A_1] : memref<1x1x1000xf32, #tpu.memory_space<vmem>>, vector<1x1x1000xf32>
    %get3A_3 = vector.shape_cast %get3A_2 : vector<1x1x1000xf32> to vector<1000xf32>
    %get3A_4 = arith.constant 0 : index
    %get3A_5 = arith.constant 0 : index
    %get3A_6 = arith.constant 0 : index
    %get3A_7 = vector.load %arg5[%get3A_4, %get3A_5, %get3A_6] : memref<1x1x1000xf32, #tpu.memory_space<vmem>>, vector<1x1x1000xf32>
    %get3A_8 = vector.shape_cast %get3A_7 : vector<1x1x1000xf32> to vector<1000xf32>
    %add3A = arith.addf %get3A_3, %get3A_8 : vector<1000xf32>
    %add3A_9 = arith.constant 1.000000e+00 : f32
    %add3A_10 = vector.broadcast %add3A_9 : f32 to vector<1000xf32>
    %add3A_11 = arith.addf %add3A, %add3A_10 : vector<1000xf32>
    %rsqrt3A = math.rsqrt %add3A_11 : vector<1000xf32>
    %swap3A = arith.constant 0 : index
    %swap3A_12 = arith.constant 0 : index
    %swap3A_13 = arith.constant 0 : index
    %swap3A_14 = vector.load %arg8[%swap3A, %swap3A_12, %swap3A_13] : memref<1x1x1000xf32, #tpu.memory_space<vmem>>, vector<1x1x1000xf32>
    %swap3A_15 = vector.shape_cast %swap3A_14 : vector<1x1x1000xf32> to vector<1000xf32>
    %swap3A_16 = vector.shape_cast %rsqrt3A : vector<1000xf32> to vector<1x1x1000xf32>
    tpu.vector_store %arg8[%swap3A, %swap3A_12, %swap3A_13], %swap3A_16 {strides = array<i32>} : memref<1x1x1000xf32, #tpu.memory_space<vmem>>, vector<1x1x1000xf32>,
    %get3A_17 = arith.constant 0 : index
    %get3A_18 = arith.constant 0 : index
    %get3A_19 = vector.load %arg1[%get3A_17, %get3A_18] : memref<1000x128xf32, #tpu.memory_space<vmem>>, vector<1000x128xf32>
    %get3A_20 = arith.constant 0 : index
    %get3A_21 = arith.constant 0 : index
    %get3A_22 = arith.constant 0 : index
    %get3A_23 = vector.load %arg2[%get3A_20, %get3A_21, %get3A_22] : memref<1x128x128xf32, #tpu.memory_space<vmem>>, vector<1x128x128xf32>
    %get3A_24 = vector.shape_cast %get3A_23 : vector<1x128x128xf32> to vector<128x128xf32>
    %dot_general3A = arith.constant dense<0.000000e+00> : vector<1000x128xf32>
    %dot_general3A_25 = tpu.matmul %get3A_19, %get3A_24, %dot_general3A {dimension_numbers = #tpu.dot_dimension_numbers<[1], [0], [0], [1], [0, 0, 1, 1], [], []>, transpose_lhs_hint = false} : vector<1000x128xf32>, vector<128x128xf32>, vector<1000x128xf32> -> vector<1000x128xf32>
    %get3A_26 = arith.constant 0 : index
    %get3A_27 = arith.constant 0 : index
    %get3A_28 = arith.constant 0 : index
    %get3A_29 = vector.load %arg3[%get3A_26, %get3A_27, %get3A_28] : memref<1x1x128xf32, #tpu.memory_space<vmem>>, vector<1x1x128xf32>
    %get3A_30 = vector.shape_cast %get3A_29 : vector<1x1x128xf32> to vector<1x128xf32>
    %add3A_31 = vector.broadcast %get3A_30 : vector<1x128xf32> to vector<1000x128xf32>
    %add3A_32 = arith.addf %dot_general3A_25, %add3A_31 : vector<1000x128xf32>
    %swap3A_33 = arith.constant 0 : index
    %swap3A_34 = arith.constant 0 : index
    %swap3A_35 = vector.load %arg6[%swap3A_33, %swap3A_34] : memref<1000x128xf32, #tpu.memory_space<vmem>>, vector<1000x128xf32>
    tpu.vector_store %arg6[%swap3A_33, %swap3A_34], %add3A_32 {strides = array<i32>} : memref<1000x128xf32, #tpu.memory_space<vmem>>, vector<1000x128xf32>,
    %broadcast_in_dim3A = vector.shape_cast %rsqrt3A : vector<1000xf32> to vector<1000x1xf32>
    %mul3A = vector.broadcast %broadcast_in_dim3A : vector<1000x1xf32> to vector<1000x128xf32>
    %mul3A_36 = arith.mulf %add3A_32, %mul3A : vector<1000x128xf32>
    %swap3A_37 = arith.constant 0 : index
    %swap3A_38 = arith.constant 0 : index
    %swap3A_39 = vector.load %arg7[%swap3A_37, %swap3A_38] : memref<1000x128xf32, #tpu.memory_space<vmem>>, vector<1000x128xf32>
    tpu.vector_store %arg7[%swap3A_37, %swap3A_38], %mul3A_36 {strides = array<i32>} : memref<1000x128xf32, #tpu.memory_space<vmem>>, vector<1000x128xf32>,
    return
  }
  func.func @transform_0(%arg0: i32) -> (i32, i32) {
    %c0_i32 = arith.constant 0 : i32
    %c0_i32_0 = arith.constant 0 : i32
    return %arg0, %c0_i32 : i32, i32
  }
  func.func @transform_1(%arg0: i32) -> (i32, i32, i32) {
    %lt3A = arith.constant 4 : i32
    %lt3A_0 = arith.cmpi slt, %arg0, %lt3A : i32
    %lt3A_1 = arith.constant 7 : i32
    %lt3A_2 = arith.cmpi slt, %arg0, %lt3A_1 : i32
    %jit3A = arith.constant 1 : i32
    %jit3A_3 = arith.constant 2 : i32
    %select_n3A = arith.select %lt3A_2, %jit3A, %jit3A_3 : i32
    %jit3A_4 = arith.constant 0 : i32
    %select_n3A_5 = arith.select %lt3A_0, %jit3A_4, %select_n3A : i32
    %c0_i32 = arith.constant 0 : i32
    %c0_i32_6 = arith.constant 0 : i32
    %c0_i32_7 = arith.constant 0 : i32
    return %select_n3A_5, %c0_i32, %c0_i32_6 : i32, i32, i32
  }
  func.func @transform_2(%arg0: i32) -> (i32, i32, i32) {
    %lt3A = arith.constant 4 : i32
    %lt3A_0 = arith.cmpi slt, %arg0, %lt3A : i32
    %lt3A_1 = arith.constant 7 : i32
    %lt3A_2 = arith.cmpi slt, %arg0, %lt3A_1 : i32
    %jit3A = arith.constant 1 : i32
    %jit3A_3 = arith.constant 2 : i32
    %select_n3A = arith.select %lt3A_2, %jit3A, %jit3A_3 : i32
    %jit3A_4 = arith.constant 0 : i32
    %select_n3A_5 = arith.select %lt3A_0, %jit3A_4, %select_n3A : i32
    %c0_i32 = arith.constant 0 : i32
    %c0_i32_6 = arith.constant 0 : i32
    %c0_i32_7 = arith.constant 0 : i32
    return %select_n3A_5, %c0_i32, %c0_i32_6 : i32, i32, i32
  }
  func.func @transform_3(%arg0: i32) -> (i32, i32, i32) {
    %c0_i32 = arith.constant 0 : i32
    %c0_i32_0 = arith.constant 0 : i32
    %c0_i32_1 = arith.constant 0 : i32
    return %arg0, %c0_i32, %c0_i32_0 : i32, i32, i32
  }
  func.func @transform_4(%arg0: i32) -> (i32, i32, i32) {
    %c0_i32 = arith.constant 0 : i32
    %c0_i32_0 = arith.constant 0 : i32
    %c0_i32_1 = arith.constant 0 : i32
    return %arg0, %c0_i32, %c0_i32_0 : i32, i32, i32
  }
  func.func @transform_5(%arg0: i32) -> (i32, i32) {
    %c0_i32 = arith.constant 0 : i32
    %c0_i32_0 = arith.constant 0 : i32
    return %arg0, %c0_i32 : i32, i32
  }
  func.func @transform_6(%arg0: i32) -> (i32, i32) {
    %c0_i32 = arith.constant 0 : i32
    %c0_i32_0 = arith.constant 0 : i32
    return %arg0, %c0_i32 : i32, i32
  }
  func.func @transform_7(%arg0: i32) -> (i32, i32, i32) {
    %c0_i32 = arith.constant 0 : i32
    %c0_i32_0 = arith.constant 0 : i32
    %c0_i32_1 = arith.constant 0 : i32
    return %arg0, %c0_i32, %c0_i32_0 : i32, i32, i32
  }
}

module attributes {stable_mosaic.version = 14 : i64} {
  func.func @_tc2_body(%arg0: i32, %arg1: memref<1000x128xf32, #tpu.memory_space<vmem>>, %arg2: memref<1000x128xf32, #tpu.memory_space<vmem>>, %arg3: memref<1000x128xf32, #tpu.memory_space<vmem>>, %arg4: memref<1x1x1000xf32, #tpu.memory_space<vmem>>, %arg5: memref<1x128x128xf32, #tpu.memory_space<vmem>>, %arg6: memref<1x1x128xf32, #tpu.memory_space<vmem>>, %arg7: memref<1000x128xf32, #tpu.memory_space<vmem>>, %arg8: memref<1000x128xf32, #tpu.memory_space<vmem>>) attributes {dimension_semantics = [#tpu.dimension_semantics<arbitrary>], iteration_bounds = array<i64: 10>, scalar_prefetch = 0 : i64, scratch_operands = 0 : i64, tpu.core_type = #tpu.core_type<tc>, window_params = [{transform_indices = @transform_0, window_bounds = array<i64: 1000, 128>}, {transform_indices = @transform_1, window_bounds = array<i64: 1000, 128>}, {transform_indices = @transform_2, window_bounds = array<i64: 1000, 128>}, {transform_indices = @transform_3, window_bounds = array<i64: 1, 1, 1000>}, {transform_indices = @transform_4, window_bounds = array<i64: 1, 128, 128>}, {transform_indices = @transform_5, window_bounds = array<i64: 1, 1, 128>}, {transform_indices = @transform_6, window_bounds = array<i64: 1000, 128>}, {transform_indices = @transform_7, window_bounds = array<i64: 1000, 128>}]} {
    %get3A = arith.constant 0 : index
    %get3A_0 = arith.constant 0 : index
    %get3A_1 = arith.constant 0 : index
    %get3A_2 = vector.load %arg4[%get3A, %get3A_0, %get3A_1] : memref<1x1x1000xf32, #tpu.memory_space<vmem>>, vector<1x1x1000xf32>
    %get3A_3 = vector.shape_cast %get3A_2 : vector<1x1x1000xf32> to vector<1000xf32>
    %broadcast_in_dim3A = vector.shape_cast %get3A_3 : vector<1000xf32> to vector<1000x1xf32>
    %get3A_4 = arith.constant 0 : index
    %get3A_5 = arith.constant 0 : index
    %get3A_6 = vector.load %arg2[%get3A_4, %get3A_5] : memref<1000x128xf32, #tpu.memory_space<vmem>>, vector<1000x128xf32>
    %get3A_7 = arith.constant 0 : index
    %get3A_8 = arith.constant 0 : index
    %get3A_9 = vector.load %arg3[%get3A_7, %get3A_8] : memref<1000x128xf32, #tpu.memory_space<vmem>>, vector<1000x128xf32>
    %add3A = arith.addf %get3A_6, %get3A_9 : vector<1000x128xf32>
    %get3A_10 = arith.constant 0 : index
    %get3A_11 = arith.constant 0 : index
    %get3A_12 = vector.load %arg1[%get3A_10, %get3A_11] : memref<1000x128xf32, #tpu.memory_space<vmem>>, vector<1000x128xf32>
    %mul3A = vector.broadcast %broadcast_in_dim3A : vector<1000x1xf32> to vector<1000x128xf32>
    %mul3A_13 = arith.mulf %mul3A, %add3A : vector<1000x128xf32>
    %add3A_14 = arith.addf %get3A_12, %mul3A_13 : vector<1000x128xf32>
    %max3A = arith.constant 0.000000e+00 : f32
    %max3A_15 = vector.broadcast %max3A : f32 to vector<1000x128xf32>
    %max3A_16 = arith.maximumf %add3A_14, %max3A_15 : vector<1000x128xf32>
    %get3A_17 = arith.constant 0 : index
    %get3A_18 = arith.constant 0 : index
    %get3A_19 = arith.constant 0 : index
    %get3A_20 = vector.load %arg5[%get3A_17, %get3A_18, %get3A_19] : memref<1x128x128xf32, #tpu.memory_space<vmem>>, vector<1x128x128xf32>
    %get3A_21 = vector.shape_cast %get3A_20 : vector<1x128x128xf32> to vector<128x128xf32>
    %dot_general3A = arith.constant dense<0.000000e+00> : vector<1000x128xf32>
    %dot_general3A_22 = tpu.matmul %max3A_16, %get3A_21, %dot_general3A {dimension_numbers = #tpu.dot_dimension_numbers<[1], [0], [0], [1], [0, 0, 1, 1], [], []>, transpose_lhs_hint = false} : vector<1000x128xf32>, vector<128x128xf32>, vector<1000x128xf32> -> vector<1000x128xf32>
    %get3A_23 = arith.constant 0 : index
    %get3A_24 = arith.constant 0 : index
    %get3A_25 = arith.constant 0 : index
    %get3A_26 = vector.load %arg6[%get3A_23, %get3A_24, %get3A_25] : memref<1x1x128xf32, #tpu.memory_space<vmem>>, vector<1x1x128xf32>
    %get3A_27 = vector.shape_cast %get3A_26 : vector<1x1x128xf32> to vector<1x128xf32>
    %add3A_28 = vector.broadcast %get3A_27 : vector<1x128xf32> to vector<1000x128xf32>
    %add3A_29 = arith.addf %dot_general3A_22, %add3A_28 : vector<1000x128xf32>
    %swap3A = arith.constant 0 : index
    %swap3A_30 = arith.constant 0 : index
    %swap3A_31 = vector.load %arg7[%swap3A, %swap3A_30] : memref<1000x128xf32, #tpu.memory_space<vmem>>, vector<1000x128xf32>
    tpu.vector_store %arg7[%swap3A, %swap3A_30], %add3A_29 {strides = array<i32>} : memref<1000x128xf32, #tpu.memory_space<vmem>>, vector<1000x128xf32>,
    %mul3A_32 = vector.broadcast %broadcast_in_dim3A : vector<1000x1xf32> to vector<1000x128xf32>
    %mul3A_33 = arith.mulf %add3A_29, %mul3A_32 : vector<1000x128xf32>
    %swap3A_34 = arith.constant 0 : index
    %swap3A_35 = arith.constant 0 : index
    %swap3A_36 = vector.load %arg8[%swap3A_34, %swap3A_35] : memref<1000x128xf32, #tpu.memory_space<vmem>>, vector<1000x128xf32>
    tpu.vector_store %arg8[%swap3A_34, %swap3A_35], %mul3A_33 {strides = array<i32>} : memref<1000x128xf32, #tpu.memory_space<vmem>>, vector<1000x128xf32>,
    return
  }
  func.func @transform_0(%arg0: i32) -> (i32, i32) {
    %c0_i32 = arith.constant 0 : i32
    %c0_i32_0 = arith.constant 0 : i32
    return %arg0, %c0_i32 : i32, i32
  }
  func.func @transform_1(%arg0: i32) -> (i32, i32) {
    %c0_i32 = arith.constant 0 : i32
    %c0_i32_0 = arith.constant 0 : i32
    return %arg0, %c0_i32 : i32, i32
  }
  func.func @transform_2(%arg0: i32) -> (i32, i32) {
    %c0_i32 = arith.constant 0 : i32
    %c0_i32_0 = arith.constant 0 : i32
    return %arg0, %c0_i32 : i32, i32
  }
  func.func @transform_3(%arg0: i32) -> (i32, i32, i32) {
    %c0_i32 = arith.constant 0 : i32
    %c0_i32_0 = arith.constant 0 : i32
    %c0_i32_1 = arith.constant 0 : i32
    return %arg0, %c0_i32, %c0_i32_0 : i32, i32, i32
  }
  func.func @transform_4(%arg0: i32) -> (i32, i32, i32) {
    %lt3A = arith.constant 4 : i32
    %lt3A_0 = arith.cmpi slt, %arg0, %lt3A : i32
    %lt3A_1 = arith.constant 7 : i32
    %lt3A_2 = arith.cmpi slt, %arg0, %lt3A_1 : i32
    %jit3A = arith.constant 1 : i32
    %jit3A_3 = arith.constant 2 : i32
    %select_n3A = arith.select %lt3A_2, %jit3A, %jit3A_3 : i32
    %jit3A_4 = arith.constant 0 : i32
    %select_n3A_5 = arith.select %lt3A_0, %jit3A_4, %select_n3A : i32
    %c0_i32 = arith.constant 0 : i32
    %c0_i32_6 = arith.constant 0 : i32
    %c0_i32_7 = arith.constant 0 : i32
    return %select_n3A_5, %c0_i32, %c0_i32_6 : i32, i32, i32
  }
  func.func @transform_5(%arg0: i32) -> (i32, i32, i32) {
    %lt3A = arith.constant 4 : i32
    %lt3A_0 = arith.cmpi slt, %arg0, %lt3A : i32
    %lt3A_1 = arith.constant 7 : i32
    %lt3A_2 = arith.cmpi slt, %arg0, %lt3A_1 : i32
    %jit3A = arith.constant 1 : i32
    %jit3A_3 = arith.constant 2 : i32
    %select_n3A = arith.select %lt3A_2, %jit3A, %jit3A_3 : i32
    %jit3A_4 = arith.constant 0 : i32
    %select_n3A_5 = arith.select %lt3A_0, %jit3A_4, %select_n3A : i32
    %c0_i32 = arith.constant 0 : i32
    %c0_i32_6 = arith.constant 0 : i32
    %c0_i32_7 = arith.constant 0 : i32
    return %select_n3A_5, %c0_i32, %c0_i32_6 : i32, i32, i32
  }
  func.func @transform_6(%arg0: i32) -> (i32, i32) {
    %c0_i32 = arith.constant 0 : i32
    %c0_i32_0 = arith.constant 0 : i32
    return %arg0, %c0_i32 : i32, i32
  }
  func.func @transform_7(%arg0: i32) -> (i32, i32) {
    %c0_i32 = arith.constant 0 : i32
    %c0_i32_0 = arith.constant 0 : i32
    return %arg0, %c0_i32 : i32, i32
  }
}

module attributes {stable_mosaic.version = 14 : i64} {
  func.func @_tc3_body(%arg0: i32, %arg1: memref<1000x128xf32, #tpu.memory_space<vmem>>, %arg2: memref<1000x128xf32, #tpu.memory_space<vmem>>, %arg3: memref<1000x128xf32, #tpu.memory_space<vmem>>, %arg4: memref<1x1x1000xf32, #tpu.memory_space<vmem>>, %arg5: memref<1000x128xf32, #tpu.memory_space<vmem>>) attributes {dimension_semantics = [#tpu.dimension_semantics<arbitrary>], iteration_bounds = array<i64: 10>, scalar_prefetch = 0 : i64, scratch_operands = 0 : i64, tpu.core_type = #tpu.core_type<tc>, window_params = [{transform_indices = @transform_0, window_bounds = array<i64: 1000, 128>}, {transform_indices = @transform_1, window_bounds = array<i64: 1000, 128>}, {transform_indices = @transform_2, window_bounds = array<i64: 1000, 128>}, {transform_indices = @transform_3, window_bounds = array<i64: 1, 1, 1000>}, {transform_indices = @transform_4, window_bounds = array<i64: 1000, 128>}]} {
    %get3A = arith.constant 0 : index
    %get3A_0 = arith.constant 0 : index
    %get3A_1 = arith.constant 0 : index
    %get3A_2 = vector.load %arg4[%get3A, %get3A_0, %get3A_1] : memref<1x1x1000xf32, #tpu.memory_space<vmem>>, vector<1x1x1000xf32>
    %get3A_3 = vector.shape_cast %get3A_2 : vector<1x1x1000xf32> to vector<1000xf32>
    %broadcast_in_dim3A = vector.shape_cast %get3A_3 : vector<1000xf32> to vector<1000x1xf32>
    %get3A_4 = arith.constant 0 : index
    %get3A_5 = arith.constant 0 : index
    %get3A_6 = vector.load %arg2[%get3A_4, %get3A_5] : memref<1000x128xf32, #tpu.memory_space<vmem>>, vector<1000x128xf32>
    %get3A_7 = arith.constant 0 : index
    %get3A_8 = arith.constant 0 : index
    %get3A_9 = vector.load %arg3[%get3A_7, %get3A_8] : memref<1000x128xf32, #tpu.memory_space<vmem>>, vector<1000x128xf32>
    %add3A = arith.addf %get3A_6, %get3A_9 : vector<1000x128xf32>
    %get3A_10 = arith.constant 0 : index
    %get3A_11 = arith.constant 0 : index
    %get3A_12 = vector.load %arg1[%get3A_10, %get3A_11] : memref<1000x128xf32, #tpu.memory_space<vmem>>, vector<1000x128xf32>
    %mul3A = vector.broadcast %broadcast_in_dim3A : vector<1000x1xf32> to vector<1000x128xf32>
    %mul3A_13 = arith.mulf %mul3A, %add3A : vector<1000x128xf32>
    %add3A_14 = arith.addf %get3A_12, %mul3A_13 : vector<1000x128xf32>
    %swap3A = arith.constant 0 : index
    %swap3A_15 = arith.constant 0 : index
    %swap3A_16 = vector.load %arg5[%swap3A, %swap3A_15] : memref<1000x128xf32, #tpu.memory_space<vmem>>, vector<1000x128xf32>
    tpu.vector_store %arg5[%swap3A, %swap3A_15], %add3A_14 {strides = array<i32>} : memref<1000x128xf32, #tpu.memory_space<vmem>>, vector<1000x128xf32>,
    return
  }
  func.func @transform_0(%arg0: i32) -> (i32, i32) {
    %c0_i32 = arith.constant 0 : i32
    %c0_i32_0 = arith.constant 0 : i32
    return %arg0, %c0_i32 : i32, i32
  }
  func.func @transform_1(%arg0: i32) -> (i32, i32) {
    %c0_i32 = arith.constant 0 : i32
    %c0_i32_0 = arith.constant 0 : i32
    return %arg0, %c0_i32 : i32, i32
  }
  func.func @transform_2(%arg0: i32) -> (i32, i32) {
    %c0_i32 = arith.constant 0 : i32
    %c0_i32_0 = arith.constant 0 : i32
    return %arg0, %c0_i32 : i32, i32
  }
  func.func @transform_3(%arg0: i32) -> (i32, i32, i32) {
    %c0_i32 = arith.constant 0 : i32
    %c0_i32_0 = arith.constant 0 : i32
    %c0_i32_1 = arith.constant 0 : i32
    return %arg0, %c0_i32, %c0_i32_0 : i32, i32, i32
  }
  func.func @transform_4(%arg0: i32) -> (i32, i32) {
    %c0_i32 = arith.constant 0 : i32
    %c0_i32_0 = arith.constant 0 : i32
    return %arg0, %c0_i32 : i32, i32
  }
}

</mosaic_0001>

<sc_bundles>
// kernel: kernel.11.cloned.1.call-start
scs
__scs_entry_jumppad:
0x0: {  	(pc) =	sbr.rel $0x88, $3  }
0x1: {  	(tag) =	ssettag $0x0;
	lr =	simm.s32 $0x1  }
0x2: {  	[smem:$0x3F8F] =	sst lr;
	_ =	strace $0xD0000000  }
0x3: {  	_ = 	snop  }
0x4: {  	_ = 	snop  }
0x5: {  	_ = 	snop  }
0x6: {  	_ = 	snop  }
0x7: {  	_ = 	snop  }
__scs_overlays_trampoline_lowered:
0x8: {  	[smem:$0x3F9E] =	sst s0  }
0x9: {  	[smem:$0x3F9F] =	sst s1  }
0xa: {  	[smem:$0x3FA0] =	sst s2  }
0xb: {  	[smem:$0x3FA1] =	sst s3  }
0xc: {  	[smem:$0x3FA2] =	sst s4  }
0xd: {  	[smem:$0x3FA3] =	sst s5  }
0xe: {  	[smem:$0x3FA4] =	sst s6  }
0xf: {  	[smem:$0x3FA5] =	sst s7  }
0x10: {  	[smem:$0x3FA6] =	sst s8  }
0x11: {  	[smem:$0x3FA7] =	sst s9;
	s0 =	simm.s32 @!p0 $0x0  }
0x12: {  	s1 =	sld [smem:$0x3F8D];
	s0 =	simm.s32 @p0 $0x1  }
0x13: {  	[smem:$0x3FA8] =	sst s0;
	s0 =	simm.s32 @!p1 $0x0  }
0x14: {  	s2 =	sld [smem:$0x3F8C];
	s0 =	simm.s32 @p1 $0x1  }
0x15: {  	[smem:$0x3FA9] =	sst s0;
	s0 =	simm.s32 @!p2 $0x0  }
0x16: {  	s3 =	sld [smem:$0x3FDB];
	s0 =	simm.s32 @p2 $0x1  }
0x17: {  	s4 =	simm.s32 $0x1BF5;
	[smem:$0x3FAB] =	sst s0  }
0x18: {  	s0 =	sld [smem:$0x3F8E];
	_ =	swait.ge [sflag:s4], $0x0  }
0x19: {  	s7 =	sld [smem:$0x3F8F]  }
0x1a: {  	s8 =	sadd.s32 $0xFFFFE003, lr  }
0x1b: {  	s9 =	sadd.s32 $0xFFFFFEF7, lr;
	s5 =	simm.s32 $0xFFFFFFFF;
	p2 =	slt.u32 s8, $0xFFFFF086  }
0x1c: {  	p1 =	slt.u32 s9, $0xF7A;
	s5 =	simm.s32 @!p2 $0x0  }
0x1d: {  	s5 =	simm.s32 @p1 $0x1;
	p0 =	seq.s32 s7, s2  }
0x1e: {  	s7 =	smul.u32 @!p0 $0xF7A, s2;
	p2 =	seq.s32 @!p0 s5, $0x0  }
0x1f: {  	s9 =	smul.u32 $0xF7A, s1;
	s8 =	simm.s32 @!p0 $0x1BF5;
	p2 =	por !p2, p0  }
0x20: {  	[sflag:s8] =	ssyncset.s32 @!p0 $0xFFFFF086;
	s6 =	sadd.s32 @!p0 s3, s7;
	s7 =	simm.s32 @!p0 $0x108  }
0x21: {  	s3 =	sadd.s32 s3, s9;
	s6 =	sadd.s32 @!p0 $0x88, s6;
	s7 =	simm.s32 @p2 $0x1082  }
0x22: {  	[simem:s7], [sflag:s8] =	dma.local @!p0 [hbm:s6], $0xF7A  }
0x23: {  	s9 =	sor.u32 $0xD0000000, s2;
	s6 =	simm.s32 $0x108;
	_ =	swait.ge @!p0 [sflag:s8], $0x0  }
0x24: {  	s3 =	sadd.s32 $0x88, s3;
	s6 =	simm.s32 @!p1 $0x1082;
	[sflag:s4] =	ssyncset.s32 $0xFFFFF086  }
0x25: {  	[simem:s6], [sflag:s4] =	dma.local [hbm:s3], $0xF7A  }
0x26: {  	[smem:$0x3F8F] =	sst s1;
	(tag) =	ssettag s2;
	_ =	strace s9  }
0x27: {  	s1 =	sld [smem:$0x3F9F]  }
0x28: {  	s2 =	sld [smem:$0x3FA0]  }
0x29: {  	s4 =	sld [smem:$0x3FA2]  }
0x2a: {  	p0 =	seq.s32 s5, $0x0;
	s5 =	sld [smem:$0x3FA3]  }
0x2b: {  	s6 =	sld [smem:$0x3FA4]  }
0x2c: {  	s7 =	sld [smem:$0x3FA5]  }
0x2d: {  	s3 =	simm.s32 $0x108;
	s8 =	sld [smem:$0x3FA6]  }
0x2e: {  	s3 =	simm.s32 @!p0 $0x1082;
	s9 =	sld [smem:$0x3FA7]  }
0x2f: {  	lr =	sadd.s32 s0, s3;
	s0 =	sld [smem:$0x3F9E]  }
0x30: {  	s3 =	sld [smem:$0x3FA1]  }
0x31: {  	[smem:$0x3FAA] =	sst s10  }
0x32: {  	s10 =	sld [smem:$0x3FA8];
	_ =	sdelay $0x3  }
0x33: {  	p0 =	seq.s32 s10, $0x1;
	s10 =	sld [smem:$0x3FAA];
	_ =	sdelay $0x3  }
0x34: {  	[smem:$0x3FAA] =	sst s10  }
0x35: {  	s10 =	sld [smem:$0x3FA9];
	_ =	sdelay $0x3  }
0x36: {  	p1 =	seq.s32 s10, $0x1;
	s10 =	sld [smem:$0x3FAA];
	_ =	sdelay $0x3  }
0x37: {  	[smem:$0x3FAA] =	sst s10  }
0x38: {  	s10 =	sld [smem:$0x3FAB]  }
0x39: {  	_ = 	snop;
	(pc) =	sbr.ind lr, $3  }
0x3a: {  	_ = 	snop  }
0x3b: {  	_ = 	snop  }
0x3c: {  	p2 =	seq.s32 s10, $0x1;
	s10 =	sld [smem:$0x3FAA]  }
0x3d: {  	_ =	shalt  }
0x3e: {  	_ =	shalt  }
0x3f: {  	_ =	shalt  }
0x40: {  	_ =	shalt  }
0x41: {  	_ =	shalt  }
0x42: {  	_ =	shalt  }
0x43: {  	_ =	shalt  }
0x44: {  	_ =	shalt  }
0x45: {  	_ =	shalt  }
0x46: {  	_ =	shalt  }
0x47: {  	_ =	shalt  }
0x48: {  	_ =	shalt  }
0x49: {  	_ =	shalt  }
0x4a: {  	_ =	shalt  }
0x4b: {  	_ =	shalt  }
0x4c: {  	_ =	shalt  }
0x4d: {  	_ =	shalt  }
0x4e: {  	_ =	shalt  }
0x4f: {  	_ =	shalt  }
0x50: {  	_ =	shalt  }
0x51: {  	_ =	shalt  }
0x52: {  	_ =	shalt  }
0x53: {  	_ =	shalt  }
0x54: {  	_ =	shalt  }
0x55: {  	_ =	shalt  }
0x56: {  	_ =	shalt  }
0x57: {  	_ =	shalt  }
0x58: {  	_ =	shalt  }
0x59: {  	_ =	shalt  }
0x5a: {  	_ =	shalt  }
0x5b: {  	_ =	shalt  }
0x5c: {  	_ =	shalt  }
0x5d: {  	_ =	shalt  }
0x5e: {  	_ =	shalt  }
0x5f: {  	_ =	shalt  }
0x60: {  	_ =	shalt  }
0x61: {  	_ =	shalt  }
0x62: {  	_ =	shalt  }
0x63: {  	_ =	shalt  }
0x64: {  	_ =	shalt  }
0x65: {  	_ =	shalt  }
0x66: {  	_ =	shalt  }
0x67: {  	_ =	shalt  }
0x68: {  	_ =	shalt  }
0x69: {  	_ =	shalt  }
0x6a: {  	_ =	shalt  }
0x6b: {  	_ =	shalt  }
0x6c: {  	_ =	shalt  }
0x6d: {  	_ =	shalt  }
0x6e: {  	_ =	shalt  }
0x6f: {  	_ =	shalt  }
0x70: {  	_ =	shalt  }
0x71: {  	_ =	shalt  }
0x72: {  	_ =	shalt  }
0x73: {  	_ =	shalt  }
0x74: {  	_ =	shalt  }
0x75: {  	_ =	shalt  }
0x76: {  	_ =	shalt  }
0x77: {  	_ =	shalt  }
0x78: {  	_ =	shalt  }
0x79: {  	_ =	shalt  }
0x7a: {  	_ =	shalt  }
0x7b: {  	_ =	shalt  }
0x7c: {  	_ =	shalt  }
0x7d: {  	_ =	shalt  }
0x7e: {  	_ =	shalt  }
0x7f: {  	_ =	shalt  }
0x80: {  	_ =	shalt  }
0x81: {  	_ =	shalt  }
0x82: {  	_ =	shalt  }
0x83: {  	_ =	shalt  }
0x84: {  	_ =	shalt  }
0x85: {  	_ =	shalt  }
0x86: {  	_ =	shalt  }
0x87: {  	_ =	shalt  }
.Lfunc_end0:
.L_simem_size_0:
called_computation.1_lowered:
.L_overlay_start_0:
0x88: {  	s2 =	sld [smem:$0x3FD9]  }
0x89: {  	s3 =	sld [smem:$0x3FFE];
	_ =	sdelay $0x1  }
0x8a: {  	s1 =	srdreg.scid  }
0x8b: {  	s0 =	sand.u32 $0x1, s1  }
0x8c: {  	s17 =	sshll.u32 s0, $0xA;
	s2 =	sadd.s32 s3, s2  }
0x8d: {  	s2 =	sadd.s32 s2, s17  }
0x8e: {  	[smem:$0x3FB6] =	sst s2  }
0x8f: {  	_ = 	snop  }
0x90: {  	s2 =	sld [smem:$0x3FD0];
	(tm) =	ssettm $0x1  }
0x91: {  	s18 =	sld [smem:$0x3FFB];
	_ =	sdelay $0x3  }
0x92: {  	_ =	strace s18  }
0x93: {  	s3 =	sld [smem:$0x3FFC];
	_ =	sdelay $0x3  }
0x94: {  	_ =	strace s3  }
0x95: {  	s3 =	sld [smem:$0x3FFD];
	_ =	sdelay $0x3  }
0x96: {  	_ =	strace s3  }
0x97: {  	_ =	strace $0x8FFFFFFF  }
0x98: {  	s19 =	sld [smem:$0x3FDB];
	_ =	sdelay $0x1  }
0x99: {  	s4 =	simm.s32 $_scs_section_size  }
0x9a: {  	s5 =	simm.s32 $_size__tile_overlayer_lowered;
	s6 =	simm.s32 $_tile_overlayer_lowered  }
0x9b: {  	s22 =	simm.s32 $0x1BFF;
	s21 =	sshll.u32 s6, $0x1;
	s3 =	sadd.s32 s4, s19  }
0x9c: {  	s7 =	simm.s32 $0x0;
	s20 =	sshll.u32 s5, $0x1;
	s5 =	sadd.s32 s21, s3  }
0x9d: {  	[timem:s7], [sflag:s22] =	dma.local [hbm:s5], s20  }
0x9e: {  	_ =	swait.ge [sflag:s22], s20  }
0x9f: {  	s4 =	ssub.s32 $0x0, s20;
	[sflag:s22] =	ssyncset.done $0x0  }
0xa0: {  	[sflag:s22] =	ssyncadd.s32 s4;
	_ =	sdelay $0x1  }
0xa1: {  	s23 =	simm.s32 $0x1B8B  }
0xa2: {  	_ =	swait.ge [sflag:s23], $0x1  }
0xa3: {  	[sflag:s23] =	ssyncset.done $0x0  }
0xa4: {  	s25 =	simm.s32 $0x1B8E;
	s24 =	sld [smem:$0x3FFE];
	[sflag:s23] =	ssyncadd.s32 $0xFFFFFFFF  }
0xa5: {  	s26 =	simm.s32 $execute0_lowered;
	[smem:$0x3FD2] =	sst s25  }
0xa6: {  	s5 =	sshll.u32 s26, $0x1;
	_ =	strace $0x80000049;
	[dreg:$0x1] =	wrdreg $0xFFFFFFFF  }
0xa7: {  	s28 =	simm.s32 $_size_execute0_lowered;
	s3 =	sadd.s32 s3, s5;
	[dreg:$0x0] =	wrdreg $0x0  }
0xa8: {  	s5 =	sshll.u32 s28, $0x1;
	[dreg:$0x2] =	wrdreg s3  }
0xa9: {  	[dreg:$0x3] =	wrdreg s5  }
0xaa: {  	[dreg:$0x4] =	wrdreg $0xC0  }
0xab: {  	_ =	task [dreg:s7], $0x5FFFF  }
0xac: {  	[dreg:$0x1] =	wrdreg $0xFFFFFFFF  }
0xad: {  	[dreg:$0x0] =	wrdreg $0x60  }
0xae: {  	[dreg:$0x2] =	wrdreg s24  }
0xaf: {  	[dreg:$0x3] =	wrdreg s2  }
0xb0: {  	[dreg:$0x4] =	wrdreg $0x90000  }
0xb1: {  	[dreg:$0x5] =	wrdreg $0x9  }
0xb2: {  	_ =	task.clear_ibuf [dreg:s7], $0x6FFFF;
	_ =	strace $0x90000049  }
0xb3: {  	s29 =	simm.s32 $0x9;
	_ =	strace $0x8000004B  }
0xb4: {  	_ =	swait.ge [sflag:s29], $0x1  }
0xb5: {  	[sflag:s29] =	ssyncadd.s32 $0xFFFFFFFF  }
0xb6: {  	_ =	strace $0x9000004B  }
0xb7: {  	_ =	sfence  }
0xb8: {  	s30 =	sld [smem:$0x0];
	_ =	sdelay $0x2  }
0xb9: {  	s31 =	sshll.u32 s1, $0xD;
	s1 =	sshrl.u32 s1, $0x2  }
0xba: {  	s3 =	sand.u32 $0x4000, s31;
	s1 =	sadd.s32 s1, s30  }
0xbb: {  	s0 =	sor.u32 s3, s0;
	s1 =	sshll.u32 s1, $0x11  }
0xbc: {  	s0 =	sor.u32 s1, s0  }
0xbd: {  	s0 =	sadd.s32 $0x8F2B, s0  }
0xbe: {  	[sflag:s0] =	ssyncadd.remote.s32 $0x1  }
0xbf: {  	_ =	sfence.sel $0xFFFF  }
0xc0: {  	[dreg:$0x0] =	wrdreg $0xFFFFFFFF;
	(pc) =	sbr.abs _section_cstart, $3  }
0xc1: {  	[dreg:$0x1] =	wrdreg $0xFFFFFFFF  }
0xc2: {  	_ =	task.clear_ibuf [dreg:s7], $0x2FFFF;
	_ =	strace $0x9FFFFFFF  }
0xc3: {  	(tm) =	ssettm $0x7FFFFFFF  }
tec
execute0_lowered:
.L_overlay_start_1:
0x0: {  	(tag) =	ssettag $0x1  }
0x1: {  	s5 =	rddreg [dreg:$0x0]  }
0x2: {  	s1 =	srdreg.scid;
	s2 =	rddreg [dreg:$0x1]  }
0x3: {  	s0 =	stileid.u32;
	s3 =	rddreg [dreg:$0x2]  }
0x4: {  	s4 =	simm.s32 $0x0;
	s14 =	simm.s32 $0x80;
	s15 =	simm.s32 $0x5000  }
0x5: {  	s16 =	simm.s32 $0x1;
	s17 =	simm.s32 $0x0;
	s6 =	sand.u32 $0x1, s1  }
0x6: {  	s30 =	sshll.u32 s0, $0x1;
	s8 =	smul.u32 $0x14000, s0;
	[smem:$0x7FF] =	sst s4  }
0x7: {  	s31 =	smul.u32 $0x50000, s0;
	s12 =	sshll.u32 s0, $0x6;
	s1 =	sor.u32 s6, s30  }
0x8: {  	s9 =	smul.u32 $0x140000, s6;
	s6 =	ssub.s32 $0x2, s6;
	s12 =	sor.u32 $0x1C02, s12  }
0x9: {  	s7 =	smul.u32 $0x500, s1;
	s1 =	rddreg [dreg:$0x3];
	_ =	strace $0x8000004A  }
0xa: {  	s10 =	sshrl.u32 s8, $0x3;
	s11 =	sshrl.u32 s6, $0x1;
	s8 =	sadd.s32 s8, s9  }
0xb: {  	s10 =	sadd.s32 s10, s5;
	s11 =	ssub.s32 s6, s11;
	s9 =	sshrl.u32 s31, $0x2  }
0xc: {  	s7 =	sadd.s32 s7, s5;
	s8 =	sshrl.u32 s8, $0x3;
	s13 =	sadd.s32 s9, s3  }
0xd: {  	s9 =	smax.u32 s11, $0x1;
	s11 =	simm.s32 $0x2800;
	s8 =	sadd.s32 s8, s5  }
0xe: {  	s5 =	sadd.s32 $0xBE00, s7;
	s6 =	sadd.s32 $0x1E00, s7;
	s7 =	sadd.s32 $0x15E00, s10  }
0xf: {  	s10 =	simm.s32 $0x2;
	s13 =	sshrl.u32 s13, $0x3;
	s8 =	sadd.s32 $0x3DE00, s8  }
.LBB2_1:
0x10: {  	[tilespmem:s4], [sflag:$0x2] =	stream.linear.gather [hbm4b:s5+s4], $0x2800, $0x38;
	[tilespmem:$0x1D000] =	vst v63  }
0x11: {  	_ =	swait.ge [sflag:s10], $0x2800  }
0x12: {  	[sflag:s10] =	ssyncset.done $0x0  }
0x13: {  	[sflag:s10] =	ssyncadd.s32 $0xFFFFD800  }
0x14: {  	[tilespmem:s11], [sflag:$0x2] =	stream.linear.gather [hbm4b:s6+s4], $0x2800, $0x38;
	[tilespmem:$0x1D000] =	vst v63  }
0x15: {  	_ =	swait.ge [sflag:s10], $0x2800  }
0x16: {  	[sflag:s10] =	ssyncset.done $0x0  }
0x17: {  	[sflag:s10] =	ssyncadd.s32 $0xFFFFD800  }
0x18: {  	[spmem:s13], [sflag:s12] =	dma.local [hbm:s7], $0x2800  }
0x19: {  	_ =	swait.ge [sflag:s10], $0x2800  }
0x1a: {  	[sflag:s10] =	ssyncset.done $0x0  }
0x1b: {  	[sflag:s10] =	ssyncadd.s32 $0xFFFFD800  }
0x1c: {  	s18 =	simm.s32 $0x0;
	[bflag:$0x0] =	sbarrier.arrive $0xFFFF  }
0x1d: {  	[tilespmem:s15], [sflag:$0x1] =	stream.indirect.gather [hbm4b:s2+s14], $0x80, s18, s14, $0xb8;
	[tilespmem:$0x1D000] =	vst v63  }
0x1e: {  	_ =	swait.ge [sflag:s16], $0x4000  }
0x1f: {  	[sflag:s16] =	ssyncset.done $0x0  }
0x20: {  	s31 =	simm.s32 $0x2800;
	[sflag:s16] =	ssyncadd.s32 $0xFFFFC000  }
0x21: {  	[spmem:s3] =	stream.indirect.scatter.add.f32 [tilespmem:s15], [sflag:$0x2], $0x80, s31, s14, $0xb8;
	[tilespmem:$0x1D000] =	vst v63  }
0x22: {  	_ =	swait.ge [sflag:s10], $0x4000  }
0x23: {  	s19 =	simm.s32 $0x400;
	s18 =	simm.s32 $0x200;
	[sflag:s10] =	ssyncset.done $0x0  }
.LBB2_2:
0x24: {  	s20 =	sshra.s32 s18, $0x2  }
0x25: {  	[sflag:s10] =	ssyncadd.s32 $0xFFFFC000;
	s18 =	smov.u32 s19;
	s21 =	sadd.s32 $0x200, s19  }
0x26: {  	[tilespmem:s15], [sflag:$0x1] =	stream.indirect.gather [hbm4b:s2+s14], $0x80, s20, s14, $0xb8;
	[tilespmem:$0x1D000] =	vst v63  }
0x27: {  	p0 =	sne.s32 s19, $0x9E00;
	_ =	swait.ge [sflag:s16], $0x4000  }
.Ltmp0:
0x28: {  	[sflag:s16] =	ssyncset.done $0x0;
	(pc) =	sbr.rel @p0 .LBB2_2-.Ltmp0, $4  }
0x29: {  	s19 =	sadd.s32 $0x2800, s20;
	[sflag:s16] =	ssyncadd.s32 $0xFFFFC000  }
0x2a: {  	[spmem:s3] =	stream.indirect.scatter.add.f32 [tilespmem:s15], [sflag:$0x2], $0x80, s19, s14, $0xb8;
	[tilespmem:$0x1D000] =	vst v63  }
0x2b: {  	_ =	swait.ge [sflag:s10], $0x4000  }
0x2c: {  	s19 =	smov.u32 s21;
	[sflag:s10] =	ssyncset.done $0x0  }
0x2d: {  	s18 =	sshra.s32 s18, $0x2;
	[sflag:s10] =	ssyncadd.s32 $0xFFFFC000  }
0x2e: {  	[tilespmem:s15], [sflag:$0x1] =	stream.indirect.gather [hbm4b:s2+s14], $0x80, s18, s14, $0xb8;
	[tilespmem:$0x1D000] =	vst v63  }
0x2f: {  	_ =	swait.ge [sflag:s16], $0x4000  }
0x30: {  	[sflag:s16] =	ssyncset.done $0x0  }
0x31: {  	s18 =	sadd.s32 $0x2800, s18;
	[sflag:s16] =	ssyncadd.s32 $0xFFFFC000  }
0x32: {  	[spmem:s3] =	stream.indirect.scatter.add.f32 [tilespmem:s15], [sflag:$0x2], $0x80, s18, s14, $0xb8;
	[tilespmem:$0x1D000] =	vst v63  }
0x33: {  	_ =	swait.ge [sflag:s10], $0x4000  }
0x34: {  	s17 =	sadd.s32 $0x1, s17;
	[sflag:s10] =	ssyncset.done $0x0  }
0x35: {  	p0 =	sne.s32 s17, s9;
	[sflag:s10] =	ssyncadd.s32 $0xFFFFC000  }
.Ltmp1:
0x36: {  	[bflag:$0x0] =	sbarrier.arrive $0xFFFF;
	(pc) =	sbr.rel @p0 .LBB2_1-.Ltmp1, $4  }
0x37: {  	[hbm:s8], [sflag:s12] =	dma.local [spmem:s13], $0x2800  }
0x38: {  	_ =	swait.ge [sflag:s10], $0x2800  }
0x39: {  	[sflag:s10] =	ssyncset.done $0x0  }
0x3a: {  	[sflag:s10] =	ssyncadd.s32 $0xFFFFD800  }
0x3b: {  	_ =	sfence.sel $0x180000  }
0x3c: {  	[bflag:$0x0] =	sbarrier.arrive $0xFFFF  }
0x3d: {  	p0 =	sne.s32 s0, $0x0;
	_ =	strace $0x9000004A  }
0x3e: {  	s0 =	sadd.s32 @!p0 $0x100000, s1;
	[bflag:$0x2] =	sbarrier.arrive $0xFFFF  }
0x3f: {  	[sflag:s0] =	ssyncadd.tile.s32 @!p0 $0x1;
	_ =	shalt  }
.Lfunc_end2:
_tile_overlayer_lowered:
.L_overlay_start_2:
0x40: {  	(tag) =	ssettag $0x2  }
0x41: {  	s0 =	rddreg [dreg:$0x0];
	s2 =	stileid.u32  }
0x42: {  	s1 =	rddreg [dreg:$0x1];
	p0 =	sne.s32 s2, $0x0  }
0x43: {  	s3 =	rddreg [dreg:$0x2];
	[bflag:$0x3] =	sbarrier.arrive $0xFFFF;
	s2 =	simm.s32 @!p0 $0x1C02  }
0x44: {  	[timem:s3], [sflag:s2] =	dma.local @!p0 [hbm:s0], s1  }
0x45: {  	s0 =	simm.s32 @!p0 $0x2  }
0x46: {  	_ =	swait.ge @!p0 [sflag:s0], s1  }
0x47: {  	s1 =	ssub.s32 @!p0 $0x0, s1;
	[sflag:s0] =	ssyncset.done @!p0 $0x0  }
0x48: {  	[sflag:s0] =	ssyncadd.s32 @!p0 s1  }
0x49: {  	[bflag:$0x3] =	sbarrier.arrive $0xFFFF  }
0x4a: {  	_ =	shalt  }

// kernel: kernel.14.cloned.1.call-start
scs
__scs_entry_jumppad:
0x0: {  	(pc) =	sbr.rel $0x88, $3  }
0x1: {  	(tag) =	ssettag $0x0;
	lr =	simm.s32 $0x1  }
0x2: {  	[smem:$0x3F8F] =	sst lr;
	_ =	strace $0xD0000000  }
0x3: {  	_ = 	snop  }
0x4: {  	_ = 	snop  }
0x5: {  	_ = 	snop  }
0x6: {  	_ = 	snop  }
0x7: {  	_ = 	snop  }
__scs_overlays_trampoline_lowered:
0x8: {  	[smem:$0x3F9E] =	sst s0  }
0x9: {  	[smem:$0x3F9F] =	sst s1  }
0xa: {  	[smem:$0x3FA0] =	sst s2  }
0xb: {  	[smem:$0x3FA1] =	sst s3  }
0xc: {  	[smem:$0x3FA2] =	sst s4  }
0xd: {  	[smem:$0x3FA3] =	sst s5  }
0xe: {  	[smem:$0x3FA4] =	sst s6  }
0xf: {  	[smem:$0x3FA5] =	sst s7  }
0x10: {  	[smem:$0x3FA6] =	sst s8  }
0x11: {  	[smem:$0x3FA7] =	sst s9;
	s0 =	simm.s32 @!p0 $0x0  }
0x12: {  	s1 =	sld [smem:$0x3F8D];
	s0 =	simm.s32 @p0 $0x1  }
0x13: {  	[smem:$0x3FA8] =	sst s0;
	s0 =	simm.s32 @!p1 $0x0  }
0x14: {  	s2 =	sld [smem:$0x3F8C];
	s0 =	simm.s32 @p1 $0x1  }
0x15: {  	[smem:$0x3FA9] =	sst s0;
	s0 =	simm.s32 @!p2 $0x0  }
0x16: {  	s3 =	sld [smem:$0x3FDB];
	s0 =	simm.s32 @p2 $0x1  }
0x17: {  	s4 =	simm.s32 $0x1BF5;
	[smem:$0x3FAB] =	sst s0  }
0x18: {  	s0 =	sld [smem:$0x3F8E];
	_ =	swait.ge [sflag:s4], $0x0  }
0x19: {  	s7 =	sld [smem:$0x3F8F]  }
0x1a: {  	s8 =	sadd.s32 $0xFFFFE003, lr  }
0x1b: {  	s9 =	sadd.s32 $0xFFFFFEF7, lr;
	s5 =	simm.s32 $0xFFFFFFFF;
	p2 =	slt.u32 s8, $0xFFFFF086  }
0x1c: {  	p1 =	slt.u32 s9, $0xF7A;
	s5 =	simm.s32 @!p2 $0x0  }
0x1d: {  	s5 =	simm.s32 @p1 $0x1;
	p0 =	seq.s32 s7, s2  }
0x1e: {  	s7 =	smul.u32 @!p0 $0xF7A, s2;
	p2 =	seq.s32 @!p0 s5, $0x0  }
0x1f: {  	s9 =	smul.u32 $0xF7A, s1;
	s8 =	simm.s32 @!p0 $0x1BF5;
	p2 =	por !p2, p0  }
0x20: {  	[sflag:s8] =	ssyncset.s32 @!p0 $0xFFFFF086;
	s6 =	sadd.s32 @!p0 s3, s7;
	s7 =	simm.s32 @!p0 $0x108  }
0x21: {  	s3 =	sadd.s32 s3, s9;
	s6 =	sadd.s32 @!p0 $0x88, s6;
	s7 =	simm.s32 @p2 $0x1082  }
0x22: {  	[simem:s7], [sflag:s8] =	dma.local @!p0 [hbm:s6], $0xF7A  }
0x23: {  	s9 =	sor.u32 $0xD0000000, s2;
	s6 =	simm.s32 $0x108;
	_ =	swait.ge @!p0 [sflag:s8], $0x0  }
0x24: {  	s3 =	sadd.s32 $0x88, s3;
	s6 =	simm.s32 @!p1 $0x1082;
	[sflag:s4] =	ssyncset.s32 $0xFFFFF086  }
0x25: {  	[simem:s6], [sflag:s4] =	dma.local [hbm:s3], $0xF7A  }
0x26: {  	[smem:$0x3F8F] =	sst s1;
	(tag) =	ssettag s2;
	_ =	strace s9  }
0x27: {  	s1 =	sld [smem:$0x3F9F]  }
0x28: {  	s2 =	sld [smem:$0x3FA0]  }
0x29: {  	s4 =	sld [smem:$0x3FA2]  }
0x2a: {  	p0 =	seq.s32 s5, $0x0;
	s5 =	sld [smem:$0x3FA3]  }
0x2b: {  	s6 =	sld [smem:$0x3FA4]  }
0x2c: {  	s7 =	sld [smem:$0x3FA5]  }
0x2d: {  	s3 =	simm.s32 $0x108;
	s8 =	sld [smem:$0x3FA6]  }
0x2e: {  	s3 =	simm.s32 @!p0 $0x1082;
	s9 =	sld [smem:$0x3FA7]  }
0x2f: {  	lr =	sadd.s32 s0, s3;
	s0 =	sld [smem:$0x3F9E]  }
0x30: {  	s3 =	sld [smem:$0x3FA1]  }
0x31: {  	[smem:$0x3FAA] =	sst s10  }
0x32: {  	s10 =	sld [smem:$0x3FA8];
	_ =	sdelay $0x3  }
0x33: {  	p0 =	seq.s32 s10, $0x1;
	s10 =	sld [smem:$0x3FAA];
	_ =	sdelay $0x3  }
0x34: {  	[smem:$0x3FAA] =	sst s10  }
0x35: {  	s10 =	sld [smem:$0x3FA9];
	_ =	sdelay $0x3  }
0x36: {  	p1 =	seq.s32 s10, $0x1;
	s10 =	sld [smem:$0x3FAA];
	_ =	sdelay $0x3  }
0x37: {  	[smem:$0x3FAA] =	sst s10  }
0x38: {  	s10 =	sld [smem:$0x3FAB]  }
0x39: {  	_ = 	snop;
	(pc) =	sbr.ind lr, $3  }
0x3a: {  	_ = 	snop  }
0x3b: {  	_ = 	snop  }
0x3c: {  	p2 =	seq.s32 s10, $0x1;
	s10 =	sld [smem:$0x3FAA]  }
0x3d: {  	_ =	shalt  }
0x3e: {  	_ =	shalt  }
0x3f: {  	_ =	shalt  }
0x40: {  	_ =	shalt  }
0x41: {  	_ =	shalt  }
0x42: {  	_ =	shalt  }
0x43: {  	_ =	shalt  }
0x44: {  	_ =	shalt  }
0x45: {  	_ =	shalt  }
0x46: {  	_ =	shalt  }
0x47: {  	_ =	shalt  }
0x48: {  	_ =	shalt  }
0x49: {  	_ =	shalt  }
0x4a: {  	_ =	shalt  }
0x4b: {  	_ =	shalt  }
0x4c: {  	_ =	shalt  }
0x4d: {  	_ =	shalt  }
0x4e: {  	_ =	shalt  }
0x4f: {  	_ =	shalt  }
0x50: {  	_ =	shalt  }
0x51: {  	_ =	shalt  }
0x52: {  	_ =	shalt  }
0x53: {  	_ =	shalt  }
0x54: {  	_ =	shalt  }
0x55: {  	_ =	shalt  }
0x56: {  	_ =	shalt  }
0x57: {  	_ =	shalt  }
0x58: {  	_ =	shalt  }
0x59: {  	_ =	shalt  }
0x5a: {  	_ =	shalt  }
0x5b: {  	_ =	shalt  }
0x5c: {  	_ =	shalt  }
0x5d: {  	_ =	shalt  }
0x5e: {  	_ =	shalt  }
0x5f: {  	_ =	shalt  }
0x60: {  	_ =	shalt  }
0x61: {  	_ =	shalt  }
0x62: {  	_ =	shalt  }
0x63: {  	_ =	shalt  }
0x64: {  	_ =	shalt  }
0x65: {  	_ =	shalt  }
0x66: {  	_ =	shalt  }
0x67: {  	_ =	shalt  }
0x68: {  	_ =	shalt  }
0x69: {  	_ =	shalt  }
0x6a: {  	_ =	shalt  }
0x6b: {  	_ =	shalt  }
0x6c: {  	_ =	shalt  }
0x6d: {  	_ =	shalt  }
0x6e: {  	_ =	shalt  }
0x6f: {  	_ =	shalt  }
0x70: {  	_ =	shalt  }
0x71: {  	_ =	shalt  }
0x72: {  	_ =	shalt  }
0x73: {  	_ =	shalt  }
0x74: {  	_ =	shalt  }
0x75: {  	_ =	shalt  }
0x76: {  	_ =	shalt  }
0x77: {  	_ =	shalt  }
0x78: {  	_ =	shalt  }
0x79: {  	_ =	shalt  }
0x7a: {  	_ =	shalt  }
0x7b: {  	_ =	shalt  }
0x7c: {  	_ =	shalt  }
0x7d: {  	_ =	shalt  }
0x7e: {  	_ =	shalt  }
0x7f: {  	_ =	shalt  }
0x80: {  	_ =	shalt  }
0x81: {  	_ =	shalt  }
0x82: {  	_ =	shalt  }
0x83: {  	_ =	shalt  }
0x84: {  	_ =	shalt  }
0x85: {  	_ =	shalt  }
0x86: {  	_ =	shalt  }
0x87: {  	_ =	shalt  }
.Lfunc_end0:
.L_simem_size_0:
called_computation.2_lowered:
.L_overlay_start_0:
0x88: {  	s2 =	sld [smem:$0x3FD9]  }
0x89: {  	s3 =	sld [smem:$0x3FFE];
	_ =	sdelay $0x1  }
0x8a: {  	s1 =	srdreg.scid  }
0x8b: {  	s0 =	sand.u32 $0x1, s1  }
0x8c: {  	s17 =	sshll.u32 s0, $0xA;
	s2 =	sadd.s32 s3, s2  }
0x8d: {  	s2 =	sadd.s32 s2, s17  }
0x8e: {  	[smem:$0x3FB6] =	sst s2  }
0x8f: {  	_ = 	snop  }
0x90: {  	s2 =	sld [smem:$0x3FD0];
	(tm) =	ssettm $0x1  }
0x91: {  	s18 =	sld [smem:$0x3FFB];
	_ =	sdelay $0x3  }
0x92: {  	_ =	strace s18  }
0x93: {  	s3 =	sld [smem:$0x3FFC];
	_ =	sdelay $0x3  }
0x94: {  	_ =	strace s3  }
0x95: {  	s3 =	sld [smem:$0x3FFD];
	_ =	sdelay $0x3  }
0x96: {  	_ =	strace s3  }
0x97: {  	_ =	strace $0x8FFFFFFF  }
0x98: {  	s19 =	sld [smem:$0x3FDB];
	_ =	sdelay $0x1  }
0x99: {  	s4 =	simm.s32 $_scs_section_size  }
0x9a: {  	s5 =	simm.s32 $_size__tile_overlayer_lowered;
	s6 =	simm.s32 $_tile_overlayer_lowered  }
0x9b: {  	s22 =	simm.s32 $0x1BFF;
	s21 =	sshll.u32 s6, $0x1;
	s3 =	sadd.s32 s4, s19  }
0x9c: {  	s7 =	simm.s32 $0x0;
	s20 =	sshll.u32 s5, $0x1;
	s5 =	sadd.s32 s21, s3  }
0x9d: {  	[timem:s7], [sflag:s22] =	dma.local [hbm:s5], s20  }
0x9e: {  	_ =	swait.ge [sflag:s22], s20  }
0x9f: {  	s4 =	ssub.s32 $0x0, s20;
	[sflag:s22] =	ssyncset.done $0x0  }
0xa0: {  	[sflag:s22] =	ssyncadd.s32 s4;
	_ =	sdelay $0x1  }
0xa1: {  	s23 =	simm.s32 $0x1B8B  }
0xa2: {  	_ =	swait.ge [sflag:s23], $0x1  }
0xa3: {  	[sflag:s23] =	ssyncset.done $0x0  }
0xa4: {  	s25 =	simm.s32 $0x1B8E;
	s24 =	sld [smem:$0x3FFE];
	[sflag:s23] =	ssyncadd.s32 $0xFFFFFFFF  }
0xa5: {  	s26 =	simm.s32 $execute0_lowered;
	[smem:$0x3FD2] =	sst s25  }
0xa6: {  	s5 =	sshll.u32 s26, $0x1;
	_ =	strace $0x8000004C;
	[dreg:$0x1] =	wrdreg $0xFFFFFFFF  }
0xa7: {  	s28 =	simm.s32 $_size_execute0_lowered;
	s3 =	sadd.s32 s3, s5;
	[dreg:$0x0] =	wrdreg $0x0  }
0xa8: {  	s5 =	sshll.u32 s28, $0x1;
	[dreg:$0x2] =	wrdreg s3  }
0xa9: {  	[dreg:$0x3] =	wrdreg s5  }
0xaa: {  	[dreg:$0x4] =	wrdreg $0xC0  }
0xab: {  	_ =	task [dreg:s7], $0x5FFFF  }
0xac: {  	[dreg:$0x1] =	wrdreg $0xFFFFFFFF  }
0xad: {  	[dreg:$0x0] =	wrdreg $0x60  }
0xae: {  	[dreg:$0x2] =	wrdreg s24  }
0xaf: {  	[dreg:$0x3] =	wrdreg s2  }
0xb0: {  	[dreg:$0x4] =	wrdreg $0x90000  }
0xb1: {  	[dreg:$0x5] =	wrdreg $0x9  }
0xb2: {  	_ =	task.clear_ibuf [dreg:s7], $0x6FFFF;
	_ =	strace $0x9000004C  }
0xb3: {  	s29 =	simm.s32 $0x9;
	_ =	strace $0x8000004E  }
0xb4: {  	_ =	swait.ge [sflag:s29], $0x1  }
0xb5: {  	[sflag:s29] =	ssyncadd.s32 $0xFFFFFFFF  }
0xb6: {  	_ =	strace $0x9000004E  }
0xb7: {  	_ =	sfence  }
0xb8: {  	s30 =	sld [smem:$0x0];
	_ =	sdelay $0x2  }
0xb9: {  	s31 =	sshll.u32 s1, $0xD;
	s1 =	sshrl.u32 s1, $0x2  }
0xba: {  	s3 =	sand.u32 $0x4000, s31;
	s1 =	sadd.s32 s1, s30  }
0xbb: {  	s0 =	sor.u32 s3, s0;
	s1 =	sshll.u32 s1, $0x11  }
0xbc: {  	s0 =	sor.u32 s1, s0  }
0xbd: {  	s0 =	sadd.s32 $0x8F2B, s0  }
0xbe: {  	[sflag:s0] =	ssyncadd.remote.s32 $0x1  }
0xbf: {  	_ =	sfence.sel $0xFFFF  }
0xc0: {  	[dreg:$0x0] =	wrdreg $0xFFFFFFFF;
	(pc) =	sbr.abs _section_cstart, $3  }
0xc1: {  	[dreg:$0x1] =	wrdreg $0xFFFFFFFF  }
0xc2: {  	_ =	task.clear_ibuf [dreg:s7], $0x2FFFF;
	_ =	strace $0x9FFFFFFF  }
0xc3: {  	(tm) =	ssettm $0x7FFFFFFF  }
tec
execute0_lowered:
.L_overlay_start_1:
0x0: {  	(tag) =	ssettag $0x1  }
0x1: {  	s5 =	rddreg [dreg:$0x0]  }
0x2: {  	s1 =	srdreg.scid;
	s2 =	rddreg [dreg:$0x1]  }
0x3: {  	s0 =	stileid.u32;
	s3 =	rddreg [dreg:$0x2]  }
0x4: {  	s4 =	simm.s32 $0x0;
	s14 =	simm.s32 $0x80;
	s15 =	simm.s32 $0x5000  }
0x5: {  	s16 =	simm.s32 $0x1;
	s17 =	simm.s32 $0x0;
	s6 =	sand.u32 $0x1, s1  }
0x6: {  	s30 =	sshll.u32 s0, $0x1;
	s8 =	smul.u32 $0x14000, s0;
	[smem:$0x7FF] =	sst s4  }
0x7: {  	s31 =	smul.u32 $0x50000, s0;
	s12 =	sshll.u32 s0, $0x6;
	s1 =	sor.u32 s6, s30  }
0x8: {  	s9 =	smul.u32 $0x140000, s6;
	s6 =	ssub.s32 $0x2, s6;
	s12 =	sor.u32 $0x1C02, s12  }
0x9: {  	s7 =	smul.u32 $0x500, s1;
	s1 =	rddreg [dreg:$0x3];
	_ =	strace $0x8000004D  }
0xa: {  	s10 =	sshrl.u32 s8, $0x3;
	s11 =	sshrl.u32 s6, $0x1;
	s8 =	sadd.s32 s8, s9  }
0xb: {  	s10 =	sadd.s32 s10, s5;
	s11 =	ssub.s32 s6, s11;
	s9 =	sshrl.u32 s31, $0x2  }
0xc: {  	s7 =	sadd.s32 s7, s5;
	s8 =	sshrl.u32 s8, $0x3;
	s13 =	sadd.s32 s9, s3  }
0xd: {  	s9 =	smax.u32 s11, $0x1;
	s11 =	simm.s32 $0x2800;
	s8 =	sadd.s32 s8, s5  }
0xe: {  	s5 =	sadd.s32 $0xBE00, s7;
	s6 =	sadd.s32 $0x1E00, s7;
	s7 =	sadd.s32 $0x15E00, s10  }
0xf: {  	s10 =	simm.s32 $0x2;
	s13 =	sshrl.u32 s13, $0x3;
	s8 =	sadd.s32 $0x3DE00, s8  }
.LBB2_1:
0x10: {  	[tilespmem:s4], [sflag:$0x2] =	stream.linear.gather [hbm4b:s5+s4], $0x2800, $0x38;
	[tilespmem:$0x1D000] =	vst v63  }
0x11: {  	_ =	swait.ge [sflag:s10], $0x2800  }
0x12: {  	[sflag:s10] =	ssyncset.done $0x0  }
0x13: {  	[sflag:s10] =	ssyncadd.s32 $0xFFFFD800  }
0x14: {  	[tilespmem:s11], [sflag:$0x2] =	stream.linear.gather [hbm4b:s6+s4], $0x2800, $0x38;
	[tilespmem:$0x1D000] =	vst v63  }
0x15: {  	_ =	swait.ge [sflag:s10], $0x2800  }
0x16: {  	[sflag:s10] =	ssyncset.done $0x0  }
0x17: {  	[sflag:s10] =	ssyncadd.s32 $0xFFFFD800  }
0x18: {  	[spmem:s13], [sflag:s12] =	dma.local [hbm:s7], $0x2800  }
0x19: {  	_ =	swait.ge [sflag:s10], $0x2800  }
0x1a: {  	[sflag:s10] =	ssyncset.done $0x0  }
0x1b: {  	[sflag:s10] =	ssyncadd.s32 $0xFFFFD800  }
0x1c: {  	s18 =	simm.s32 $0x0;
	[bflag:$0x0] =	sbarrier.arrive $0xFFFF  }
0x1d: {  	[tilespmem:s15], [sflag:$0x1] =	stream.indirect.gather [hbm4b:s2+s14], $0x80, s18, s14, $0xb8;
	[tilespmem:$0x1D000] =	vst v63  }
0x1e: {  	_ =	swait.ge [sflag:s16], $0x4000  }
0x1f: {  	[sflag:s16] =	ssyncset.done $0x0  }
0x20: {  	s31 =	simm.s32 $0x2800;
	[sflag:s16] =	ssyncadd.s32 $0xFFFFC000  }
0x21: {  	[spmem:s3] =	stream.indirect.scatter.add.f32 [tilespmem:s15], [sflag:$0x2], $0x80, s31, s14, $0xb8;
	[tilespmem:$0x1D000] =	vst v63  }
0x22: {  	_ =	swait.ge [sflag:s10], $0x4000  }
0x23: {  	s19 =	simm.s32 $0x400;
	s18 =	simm.s32 $0x200;
	[sflag:s10] =	ssyncset.done $0x0  }
.LBB2_2:
0x24: {  	s20 =	sshra.s32 s18, $0x2  }
0x25: {  	[sflag:s10] =	ssyncadd.s32 $0xFFFFC000;
	s18 =	smov.u32 s19;
	s21 =	sadd.s32 $0x200, s19  }
0x26: {  	[tilespmem:s15], [sflag:$0x1] =	stream.indirect.gather [hbm4b:s2+s14], $0x80, s20, s14, $0xb8;
	[tilespmem:$0x1D000] =	vst v63  }
0x27: {  	p0 =	sne.s32 s19, $0x9E00;
	_ =	swait.ge [sflag:s16], $0x4000  }
.Ltmp0:
0x28: {  	[sflag:s16] =	ssyncset.done $0x0;
	(pc) =	sbr.rel @p0 .LBB2_2-.Ltmp0, $4  }
0x29: {  	s19 =	sadd.s32 $0x2800, s20;
	[sflag:s16] =	ssyncadd.s32 $0xFFFFC000  }
0x2a: {  	[spmem:s3] =	stream.indirect.scatter.add.f32 [tilespmem:s15], [sflag:$0x2], $0x80, s19, s14, $0xb8;
	[tilespmem:$0x1D000] =	vst v63  }
0x2b: {  	_ =	swait.ge [sflag:s10], $0x4000  }
0x2c: {  	s19 =	smov.u32 s21;
	[sflag:s10] =	ssyncset.done $0x0  }
0x2d: {  	s18 =	sshra.s32 s18, $0x2;
	[sflag:s10] =	ssyncadd.s32 $0xFFFFC000  }
0x2e: {  	[tilespmem:s15], [sflag:$0x1] =	stream.indirect.gather [hbm4b:s2+s14], $0x80, s18, s14, $0xb8;
	[tilespmem:$0x1D000] =	vst v63  }
0x2f: {  	_ =	swait.ge [sflag:s16], $0x4000  }
0x30: {  	[sflag:s16] =	ssyncset.done $0x0  }
0x31: {  	s18 =	sadd.s32 $0x2800, s18;
	[sflag:s16] =	ssyncadd.s32 $0xFFFFC000  }
0x32: {  	[spmem:s3] =	stream.indirect.scatter.add.f32 [tilespmem:s15], [sflag:$0x2], $0x80, s18, s14, $0xb8;
	[tilespmem:$0x1D000] =	vst v63  }
0x33: {  	_ =	swait.ge [sflag:s10], $0x4000  }
0x34: {  	s17 =	sadd.s32 $0x1, s17;
	[sflag:s10] =	ssyncset.done $0x0  }
0x35: {  	p0 =	sne.s32 s17, s9;
	[sflag:s10] =	ssyncadd.s32 $0xFFFFC000  }
.Ltmp1:
0x36: {  	[bflag:$0x0] =	sbarrier.arrive $0xFFFF;
	(pc) =	sbr.rel @p0 .LBB2_1-.Ltmp1, $4  }
0x37: {  	[hbm:s8], [sflag:s12] =	dma.local [spmem:s13], $0x2800  }
0x38: {  	_ =	swait.ge [sflag:s10], $0x2800  }
0x39: {  	[sflag:s10] =	ssyncset.done $0x0  }
0x3a: {  	[sflag:s10] =	ssyncadd.s32 $0xFFFFD800  }
0x3b: {  	_ =	sfence.sel $0x180000  }
0x3c: {  	[bflag:$0x0] =	sbarrier.arrive $0xFFFF  }
0x3d: {  	p0 =	sne.s32 s0, $0x0;
	_ =	strace $0x9000004D  }
0x3e: {  	s0 =	sadd.s32 @!p0 $0x100000, s1;
	[bflag:$0x2] =	sbarrier.arrive $0xFFFF  }
0x3f: {  	[sflag:s0] =	ssyncadd.tile.s32 @!p0 $0x1;
	_ =	shalt  }
.Lfunc_end2:
_tile_overlayer_lowered:
.L_overlay_start_2:
0x40: {  	(tag) =	ssettag $0x2  }
0x41: {  	s0 =	rddreg [dreg:$0x0];
	s2 =	stileid.u32  }
0x42: {  	s1 =	rddreg [dreg:$0x1];
	p0 =	sne.s32 s2, $0x0  }
0x43: {  	s3 =	rddreg [dreg:$0x2];
	[bflag:$0x3] =	sbarrier.arrive $0xFFFF;
	s2 =	simm.s32 @!p0 $0x1C02  }
0x44: {  	[timem:s3], [sflag:s2] =	dma.local @!p0 [hbm:s0], s1  }
0x45: {  	s0 =	simm.s32 @!p0 $0x2  }
0x46: {  	_ =	swait.ge @!p0 [sflag:s0], s1  }
0x47: {  	s1 =	ssub.s32 @!p0 $0x0, s1;
	[sflag:s0] =	ssyncset.done @!p0 $0x0  }
0x48: {  	[sflag:s0] =	ssyncadd.s32 @!p0 s1  }
0x49: {  	[bflag:$0x3] =	sbarrier.arrive $0xFFFF  }
0x4a: {  	_ =	shalt  }

// kernel: kernel.8.cloned.1.call-start
scs
__scs_entry_jumppad:
0x0: {  	(pc) =	sbr.rel $0x88, $3  }
0x1: {  	(tag) =	ssettag $0x0;
	lr =	simm.s32 $0x1  }
0x2: {  	[smem:$0x3F8F] =	sst lr;
	_ =	strace $0xD0000000  }
0x3: {  	_ = 	snop  }
0x4: {  	_ = 	snop  }
0x5: {  	_ = 	snop  }
0x6: {  	_ = 	snop  }
0x7: {  	_ = 	snop  }
__scs_overlays_trampoline_lowered:
0x8: {  	[smem:$0x3F9E] =	sst s0  }
0x9: {  	[smem:$0x3F9F] =	sst s1  }
0xa: {  	[smem:$0x3FA0] =	sst s2  }
0xb: {  	[smem:$0x3FA1] =	sst s3  }
0xc: {  	[smem:$0x3FA2] =	sst s4  }
0xd: {  	[smem:$0x3FA3] =	sst s5  }
0xe: {  	[smem:$0x3FA4] =	sst s6  }
0xf: {  	[smem:$0x3FA5] =	sst s7  }
0x10: {  	[smem:$0x3FA6] =	sst s8  }
0x11: {  	[smem:$0x3FA7] =	sst s9;
	s0 =	simm.s32 @!p0 $0x0  }
0x12: {  	s1 =	sld [smem:$0x3F8D];
	s0 =	simm.s32 @p0 $0x1  }
0x13: {  	[smem:$0x3FA8] =	sst s0;
	s0 =	simm.s32 @!p1 $0x0  }
0x14: {  	s2 =	sld [smem:$0x3F8C];
	s0 =	simm.s32 @p1 $0x1  }
0x15: {  	[smem:$0x3FA9] =	sst s0;
	s0 =	simm.s32 @!p2 $0x0  }
0x16: {  	s3 =	sld [smem:$0x3FDB];
	s0 =	simm.s32 @p2 $0x1  }
0x17: {  	s4 =	simm.s32 $0x1BF5;
	[smem:$0x3FAB] =	sst s0  }
0x18: {  	s0 =	sld [smem:$0x3F8E];
	_ =	swait.ge [sflag:s4], $0x0  }
0x19: {  	s7 =	sld [smem:$0x3F8F]  }
0x1a: {  	s8 =	sadd.s32 $0xFFFFE003, lr  }
0x1b: {  	s9 =	sadd.s32 $0xFFFFFEF7, lr;
	s5 =	simm.s32 $0xFFFFFFFF;
	p2 =	slt.u32 s8, $0xFFFFF086  }
0x1c: {  	p1 =	slt.u32 s9, $0xF7A;
	s5 =	simm.s32 @!p2 $0x0  }
0x1d: {  	s5 =	simm.s32 @p1 $0x1;
	p0 =	seq.s32 s7, s2  }
0x1e: {  	s7 =	smul.u32 @!p0 $0xF7A, s2;
	p2 =	seq.s32 @!p0 s5, $0x0  }
0x1f: {  	s9 =	smul.u32 $0xF7A, s1;
	s8 =	simm.s32 @!p0 $0x1BF5;
	p2 =	por !p2, p0  }
0x20: {  	[sflag:s8] =	ssyncset.s32 @!p0 $0xFFFFF086;
	s6 =	sadd.s32 @!p0 s3, s7;
	s7 =	simm.s32 @!p0 $0x108  }
0x21: {  	s3 =	sadd.s32 s3, s9;
	s6 =	sadd.s32 @!p0 $0x88, s6;
	s7 =	simm.s32 @p2 $0x1082  }
0x22: {  	[simem:s7], [sflag:s8] =	dma.local @!p0 [hbm:s6], $0xF7A  }
0x23: {  	s9 =	sor.u32 $0xD0000000, s2;
	s6 =	simm.s32 $0x108;
	_ =	swait.ge @!p0 [sflag:s8], $0x0  }
0x24: {  	s3 =	sadd.s32 $0x88, s3;
	s6 =	simm.s32 @!p1 $0x1082;
	[sflag:s4] =	ssyncset.s32 $0xFFFFF086  }
0x25: {  	[simem:s6], [sflag:s4] =	dma.local [hbm:s3], $0xF7A  }
0x26: {  	[smem:$0x3F8F] =	sst s1;
	(tag) =	ssettag s2;
	_ =	strace s9  }
0x27: {  	s1 =	sld [smem:$0x3F9F]  }
0x28: {  	s2 =	sld [smem:$0x3FA0]  }
0x29: {  	s4 =	sld [smem:$0x3FA2]  }
0x2a: {  	p0 =	seq.s32 s5, $0x0;
	s5 =	sld [smem:$0x3FA3]  }
0x2b: {  	s6 =	sld [smem:$0x3FA4]  }
0x2c: {  	s7 =	sld [smem:$0x3FA5]  }
0x2d: {  	s3 =	simm.s32 $0x108;
	s8 =	sld [smem:$0x3FA6]  }
0x2e: {  	s3 =	simm.s32 @!p0 $0x1082;
	s9 =	sld [smem:$0x3FA7]  }
0x2f: {  	lr =	sadd.s32 s0, s3;
	s0 =	sld [smem:$0x3F9E]  }
0x30: {  	s3 =	sld [smem:$0x3FA1]  }
0x31: {  	[smem:$0x3FAA] =	sst s10  }
0x32: {  	s10 =	sld [smem:$0x3FA8];
	_ =	sdelay $0x3  }
0x33: {  	p0 =	seq.s32 s10, $0x1;
	s10 =	sld [smem:$0x3FAA];
	_ =	sdelay $0x3  }
0x34: {  	[smem:$0x3FAA] =	sst s10  }
0x35: {  	s10 =	sld [smem:$0x3FA9];
	_ =	sdelay $0x3  }
0x36: {  	p1 =	seq.s32 s10, $0x1;
	s10 =	sld [smem:$0x3FAA];
	_ =	sdelay $0x3  }
0x37: {  	[smem:$0x3FAA] =	sst s10  }
0x38: {  	s10 =	sld [smem:$0x3FAB]  }
0x39: {  	_ = 	snop;
	(pc) =	sbr.ind lr, $3  }
0x3a: {  	_ = 	snop  }
0x3b: {  	_ = 	snop  }
0x3c: {  	p2 =	seq.s32 s10, $0x1;
	s10 =	sld [smem:$0x3FAA]  }
0x3d: {  	_ =	shalt  }
0x3e: {  	_ =	shalt  }
0x3f: {  	_ =	shalt  }
0x40: {  	_ =	shalt  }
0x41: {  	_ =	shalt  }
0x42: {  	_ =	shalt  }
0x43: {  	_ =	shalt  }
0x44: {  	_ =	shalt  }
0x45: {  	_ =	shalt  }
0x46: {  	_ =	shalt  }
0x47: {  	_ =	shalt  }
0x48: {  	_ =	shalt  }
0x49: {  	_ =	shalt  }
0x4a: {  	_ =	shalt  }
0x4b: {  	_ =	shalt  }
0x4c: {  	_ =	shalt  }
0x4d: {  	_ =	shalt  }
0x4e: {  	_ =	shalt  }
0x4f: {  	_ =	shalt  }
0x50: {  	_ =	shalt  }
0x51: {  	_ =	shalt  }
0x52: {  	_ =	shalt  }
0x53: {  	_ =	shalt  }
0x54: {  	_ =	shalt  }
0x55: {  	_ =	shalt  }
0x56: {  	_ =	shalt  }
0x57: {  	_ =	shalt  }
0x58: {  	_ =	shalt  }
0x59: {  	_ =	shalt  }
0x5a: {  	_ =	shalt  }
0x5b: {  	_ =	shalt  }
0x5c: {  	_ =	shalt  }
0x5d: {  	_ =	shalt  }
0x5e: {  	_ =	shalt  }
0x5f: {  	_ =	shalt  }
0x60: {  	_ =	shalt  }
0x61: {  	_ =	shalt  }
0x62: {  	_ =	shalt  }
0x63: {  	_ =	shalt  }
0x64: {  	_ =	shalt  }
0x65: {  	_ =	shalt  }
0x66: {  	_ =	shalt  }
0x67: {  	_ =	shalt  }
0x68: {  	_ =	shalt  }
0x69: {  	_ =	shalt  }
0x6a: {  	_ =	shalt  }
0x6b: {  	_ =	shalt  }
0x6c: {  	_ =	shalt  }
0x6d: {  	_ =	shalt  }
0x6e: {  	_ =	shalt  }
0x6f: {  	_ =	shalt  }
0x70: {  	_ =	shalt  }
0x71: {  	_ =	shalt  }
0x72: {  	_ =	shalt  }
0x73: {  	_ =	shalt  }
0x74: {  	_ =	shalt  }
0x75: {  	_ =	shalt  }
0x76: {  	_ =	shalt  }
0x77: {  	_ =	shalt  }
0x78: {  	_ =	shalt  }
0x79: {  	_ =	shalt  }
0x7a: {  	_ =	shalt  }
0x7b: {  	_ =	shalt  }
0x7c: {  	_ =	shalt  }
0x7d: {  	_ =	shalt  }
0x7e: {  	_ =	shalt  }
0x7f: {  	_ =	shalt  }
0x80: {  	_ =	shalt  }
0x81: {  	_ =	shalt  }
0x82: {  	_ =	shalt  }
0x83: {  	_ =	shalt  }
0x84: {  	_ =	shalt  }
0x85: {  	_ =	shalt  }
0x86: {  	_ =	shalt  }
0x87: {  	_ =	shalt  }
.Lfunc_end0:
.L_simem_size_0:
called_computation_lowered:
.L_overlay_start_0:
0x88: {  	s2 =	sld [smem:$0x3FD9]  }
0x89: {  	s3 =	sld [smem:$0x3FFE];
	_ =	sdelay $0x1  }
0x8a: {  	s1 =	srdreg.scid  }
0x8b: {  	s0 =	sand.u32 $0x1, s1  }
0x8c: {  	s17 =	sshll.u32 s0, $0xA;
	s2 =	sadd.s32 s3, s2  }
0x8d: {  	s2 =	sadd.s32 s2, s17  }
0x8e: {  	[smem:$0x3FB6] =	sst s2  }
0x8f: {  	_ = 	snop  }
0x90: {  	s2 =	sld [smem:$0x3FD0];
	(tm) =	ssettm $0x1  }
0x91: {  	s18 =	sld [smem:$0x3FFB];
	_ =	sdelay $0x3  }
0x92: {  	_ =	strace s18  }
0x93: {  	s3 =	sld [smem:$0x3FFC];
	_ =	sdelay $0x3  }
0x94: {  	_ =	strace s3  }
0x95: {  	s3 =	sld [smem:$0x3FFD];
	_ =	sdelay $0x3  }
0x96: {  	_ =	strace s3  }
0x97: {  	_ =	strace $0x8FFFFFFF  }
0x98: {  	s19 =	sld [smem:$0x3FDB];
	_ =	sdelay $0x1  }
0x99: {  	s4 =	simm.s32 $_scs_section_size  }
0x9a: {  	s5 =	simm.s32 $_size__tile_overlayer_lowered;
	s6 =	simm.s32 $_tile_overlayer_lowered  }
0x9b: {  	s22 =	simm.s32 $0x1BFF;
	s21 =	sshll.u32 s6, $0x1;
	s3 =	sadd.s32 s4, s19  }
0x9c: {  	s7 =	simm.s32 $0x0;
	s20 =	sshll.u32 s5, $0x1;
	s5 =	sadd.s32 s21, s3  }
0x9d: {  	[timem:s7], [sflag:s22] =	dma.local [hbm:s5], s20  }
0x9e: {  	_ =	swait.ge [sflag:s22], s20  }
0x9f: {  	s4 =	ssub.s32 $0x0, s20;
	[sflag:s22] =	ssyncset.done $0x0  }
0xa0: {  	[sflag:s22] =	ssyncadd.s32 s4;
	_ =	sdelay $0x1  }
0xa1: {  	s23 =	simm.s32 $0x1B8B  }
0xa2: {  	_ =	swait.ge [sflag:s23], $0x1  }
0xa3: {  	[sflag:s23] =	ssyncset.done $0x0  }
0xa4: {  	s25 =	simm.s32 $0x1B8E;
	s24 =	sld [smem:$0x3FFE];
	[sflag:s23] =	ssyncadd.s32 $0xFFFFFFFF  }
0xa5: {  	s26 =	simm.s32 $execute0_lowered;
	[smem:$0x3FD2] =	sst s25  }
0xa6: {  	s5 =	sshll.u32 s26, $0x1;
	_ =	strace $0x80000046;
	[dreg:$0x1] =	wrdreg $0xFFFFFFFF  }
0xa7: {  	s28 =	simm.s32 $_size_execute0_lowered;
	s3 =	sadd.s32 s3, s5;
	[dreg:$0x0] =	wrdreg $0x0  }
0xa8: {  	s5 =	sshll.u32 s28, $0x1;
	[dreg:$0x2] =	wrdreg s3  }
0xa9: {  	[dreg:$0x3] =	wrdreg s5  }
0xaa: {  	[dreg:$0x4] =	wrdreg $0xC0  }
0xab: {  	_ =	task [dreg:s7], $0x5FFFF  }
0xac: {  	[dreg:$0x1] =	wrdreg $0xFFFFFFFF  }
0xad: {  	[dreg:$0x0] =	wrdreg $0x60  }
0xae: {  	[dreg:$0x2] =	wrdreg s24  }
0xaf: {  	[dreg:$0x3] =	wrdreg s2  }
0xb0: {  	[dreg:$0x4] =	wrdreg $0x28800  }
0xb1: {  	[dreg:$0x5] =	wrdreg $0x9  }
0xb2: {  	_ =	task.clear_ibuf [dreg:s7], $0x6FFFF;
	_ =	strace $0x90000046  }
0xb3: {  	s29 =	simm.s32 $0x9;
	_ =	strace $0x80000048  }
0xb4: {  	_ =	swait.ge [sflag:s29], $0x1  }
0xb5: {  	[sflag:s29] =	ssyncadd.s32 $0xFFFFFFFF  }
0xb6: {  	_ =	strace $0x90000048  }
0xb7: {  	_ =	sfence  }
0xb8: {  	s30 =	sld [smem:$0x0];
	_ =	sdelay $0x2  }
0xb9: {  	s31 =	sshll.u32 s1, $0xD;
	s1 =	sshrl.u32 s1, $0x2  }
0xba: {  	s3 =	sand.u32 $0x4000, s31;
	s1 =	sadd.s32 s1, s30  }
0xbb: {  	s0 =	sor.u32 s3, s0;
	s1 =	sshll.u32 s1, $0x11  }
0xbc: {  	s0 =	sor.u32 s1, s0  }
0xbd: {  	s0 =	sadd.s32 $0x8F2B, s0  }
0xbe: {  	[sflag:s0] =	ssyncadd.remote.s32 $0x1  }
0xbf: {  	_ =	sfence.sel $0xFFFF  }
0xc0: {  	[dreg:$0x0] =	wrdreg $0xFFFFFFFF;
	(pc) =	sbr.abs _section_cstart, $3  }
0xc1: {  	[dreg:$0x1] =	wrdreg $0xFFFFFFFF  }
0xc2: {  	_ =	task.clear_ibuf [dreg:s7], $0x2FFFF;
	_ =	strace $0x9FFFFFFF  }
0xc3: {  	(tm) =	ssettm $0x7FFFFFFF  }
tec
execute0_lowered:
.L_overlay_start_1:
0x0: {  	(tag) =	ssettag $0x1  }
0x1: {  	s4 =	rddreg [dreg:$0x0]  }
0x2: {  	s6 =	rddreg [dreg:$0x1];
	s1 =	srdreg.scid  }
0x3: {  	s0 =	stileid.u32;
	s2 =	rddreg [dreg:$0x2]  }
0x4: {  	s3 =	simm.s32 $0x0;
	s13 =	simm.s32 $0x20;
	s14 =	simm.s32 $0x10  }
0x5: {  	s15 =	simm.s32 $0x0;
	s5 =	sand.u32 $0x1, s1;
	s1 =	rddreg [dreg:$0x3]  }
0x6: {  	s7 =	sshll.u32 s0, $0x1;
	[smem:$0x7FF] =	sst s3;
	s8 =	smul.u32 $0x280, s0  }
0x7: {  	s10 =	smul.u32 $0x500, s0;
	s31 =	sshll.u32 s0, $0x6;
	s7 =	sor.u32 s5, s7  }
0x8: {  	_ =	strace $0x80000047;
	s9 =	ssub.s32 $0x2, s5;
	s5 =	sshll.u32 s5, $0x7  }
0x9: {  	s7 =	smul.u32 $0x500, s7;
	s11 =	sshrl.u32 s8, $0x3;
	s12 =	sshrl.u32 s9, $0x1  }
0xa: {  	s5 =	sor.u32 s5, s10;
	s29 =	sadd.s32 s8, s2;
	s8 =	simm.s32 $0x1  }
0xb: {  	s11 =	sadd.s32 s11, s4;
	s9 =	ssub.s32 s9, s12;
	s30 =	sshrl.u32 s5, $0x3  }
0xc: {  	s10 =	sshrl.u32 s29, $0x3;
	s12 =	simm.s32 $0x2800;
	s7 =	sadd.s32 s7, s4  }
0xd: {  	s5 =	sadd.s32 $0x15E00, s11;
	s6 =	sadd.s32 s6, s30;
	s11 =	simm.s32 $0x80  }
0xe: {  	v0 =	vimm.f32 $1.000000000e+00;
	s4 =	sadd.s32 $0x1E00, s7;
	s7 =	smax.u32 s9, $0x1;
	s9 =	sor.u32 $0x1C01, s31  }
.LBB2_1:
0xf: {  	[tilespmem:s3], [sflag:$0x1] =	stream.linear.gather [hbm4b:s4+s3], $0x2800, $0x38;
	[tilespmem:$0x2B00] =	vst v63  }
0x10: {  	_ =	swait.ge [sflag:s8], $0x2800  }
0x11: {  	[sflag:s8] =	ssyncset.done $0x0  }
0x12: {  	[sflag:s8] =	ssyncadd.s32 $0xFFFFD800  }
0x13: {  	[tilespmem:$0x2800] =	vst v0  }
0x14: {  	[tilespmem:$0x2810] =	vst v0  }
0x15: {  	[tilespmem:$0x2820] =	vst v0  }
0x16: {  	[tilespmem:$0x2830] =	vst v0  }
0x17: {  	[tilespmem:$0x2840] =	vst v0  }
0x18: {  	[tilespmem:$0x2850] =	vst v0  }
0x19: {  	[tilespmem:$0x2860] =	vst v0  }
0x1a: {  	[tilespmem:$0x2870] =	vst v0  }
0x1b: {  	[spmem:s10], [sflag:s9] =	dma.local [hbm:s5], $0x50  }
0x1c: {  	_ =	swait.ge [sflag:s8], $0x50  }
0x1d: {  	[sflag:s8] =	ssyncset.done $0x0  }
0x1e: {  	[sflag:s8] =	ssyncadd.s32 $0xFFFFFFB0  }
0x1f: {  	s16 =	simm.s32 $0x0;
	[bflag:$0x0] =	sbarrier.arrive $0xFFFF  }
0x20: {  	[spmem:s2] =	stream.indirect.scatter.add.f32 [tilespmem:s12], [sflag:$0x1], $0x1, s16, s11, $0xb8;
	[tilespmem:$0x2B00] =	vst v63  }
0x21: {  	_ =	swait.ge [sflag:s8], $0x80  }
0x22: {  	s16 =	simm.s32 $0x200;
	[sflag:s8] =	ssyncset.done $0x0  }
.LBB2_2:
0x23: {  	s17 =	sshra.s32 s16, $0x2;
	[sflag:s8] =	ssyncadd.s32 $0xFFFFFF80;
	p0 =	sne.s32 s16, $0x9E00  }
0x24: {  	[spmem:s2] =	stream.indirect.scatter.add.f32 [tilespmem:s12], [sflag:$0x1], $0x1, s17, s11, $0xb8;
	[tilespmem:$0x2B00] =	vst v63  }
.Ltmp0:
0x25: {  	_ = 	snop;
	(pc) =	sbr.rel @p0 .LBB2_2-.Ltmp0, $4  }
0x26: {  	_ = 	snop  }
0x27: {  	s16 =	sadd.s32 $0x200, s16  }
0x28: {  	_ =	swait.ge [sflag:s8], $0x80  }
0x29: {  	[sflag:s8] =	ssyncset.done $0x0  }
0x2a: {  	s15 =	sadd.s32 $0x1, s15  }
0x2b: {  	[sflag:s8] =	ssyncadd.s32 $0xFFFFFF80;
	p0 =	sne.s32 s15, s7  }
.Ltmp1:
0x2c: {  	[bflag:$0x0] =	sbarrier.arrive $0xFFFF;
	(pc) =	sbr.rel @p0 .LBB2_1-.Ltmp1, $4  }
0x2d: {  	[hbm:s6@s13], [sflag:s9] =	dma.strided [spmem:s10@s14], $0x50, s8, $0x10   }
0x2e: {  	_ =	swait.ge [sflag:s8], $0x50  }
0x2f: {  	[sflag:s8] =	ssyncset.done $0x0  }
0x30: {  	[sflag:s8] =	ssyncadd.s32 $0xFFFFFFB0  }
0x31: {  	_ =	sfence.sel $0x180000  }
0x32: {  	[bflag:$0x0] =	sbarrier.arrive $0xFFFF  }
0x33: {  	p0 =	sne.s32 s0, $0x0;
	_ =	strace $0x90000047  }
0x34: {  	s0 =	sadd.s32 @!p0 $0x100000, s1;
	[bflag:$0x2] =	sbarrier.arrive $0xFFFF  }
0x35: {  	[sflag:s0] =	ssyncadd.tile.s32 @!p0 $0x1;
	_ =	shalt  }
.Lfunc_end2:
_tile_overlayer_lowered:
.L_overlay_start_2:
0x36: {  	(tag) =	ssettag $0x2  }
0x37: {  	s0 =	rddreg [dreg:$0x0];
	s2 =	stileid.u32  }
0x38: {  	s1 =	rddreg [dreg:$0x1];
	p0 =	sne.s32 s2, $0x0  }
0x39: {  	s3 =	rddreg [dreg:$0x2];
	[bflag:$0x3] =	sbarrier.arrive $0xFFFF;
	s2 =	simm.s32 @!p0 $0x1C01  }
0x3a: {  	[timem:s3], [sflag:s2] =	dma.local @!p0 [hbm:s0], s1  }
0x3b: {  	s0 =	simm.s32 @!p0 $0x1  }
0x3c: {  	_ =	swait.ge @!p0 [sflag:s0], s1  }
0x3d: {  	s1 =	ssub.s32 @!p0 $0x0, s1;
	[sflag:s0] =	ssyncset.done @!p0 $0x0  }
0x3e: {  	[sflag:s0] =	ssyncadd.s32 @!p0 s1  }
0x3f: {  	[bflag:$0x3] =	sbarrier.arrive $0xFFFF  }
0x40: {  	_ =	shalt  }

</sc_bundles>
